<compile_context>
chip_gen: v7x
topology: tpu7x:2x2x1
jax: 0.10.2.dev20260603
libtpu: 0.0.44.dev20260713+nightly
codegen_flags: <defaults>
</compile_context>

<pallas_src>
import functools

import jax
import jax.numpy as jnp
from jax import lax
from jax.experimental import pallas as pl
from jax.experimental.pallas import tpu as pltpu
from jax.experimental.pallas import tpu_sc as plsc

_B = 16384
_M = 32
_NC = 2
_NS = 16
_NW = _NC * _NS
_CH = 128
_NCH = _B // (_NW * _CH)
_BPW = _NCH * _CH
_TBL = 3


def _sc_gather(idx3d, emb0, emb1, emb2):
  mesh = plsc.VectorSubcoreMesh(core_axis_name="c", subcore_axis_name="s")

  @functools.partial(
      pl.kernel,
      out_type=jax.ShapeDtypeStruct((_TBL, _B, _M), jnp.float32),
      mesh=mesh,
      compiler_params=pltpu.CompilerParams(use_tc_tiling_on_sc=False),
      scratch_types=[
          pltpu.VMEM((_TBL, _NCH, _CH), jnp.int32),
          pltpu.VMEM((_TBL, _BPW, _M), jnp.float32),
          pltpu.SemaphoreType.DMA,
          pltpu.SemaphoreType.DMA,
      ],
  )
  def k(idx_hbm, e0, e1, e2, out_hbm, idx_v, rows_v, gsem, osem):
    w = lax.axis_index("s") * _NC + lax.axis_index("c")
    base = w * _NCH
    pltpu.sync_copy(idx_hbm.at[:, pl.ds(base, _NCH)], idx_v)
    embs = (e0, e1, e2)
    copies = []
    for t in range(_TBL):
      for ch in range(_NCH):
        copies.append(
            pltpu.async_copy(embs[t].at[idx_v.at[t, ch]],
                             rows_v.at[t, pl.ds(ch * _CH, _CH)], gsem))
    outs = []
    for t in range(_TBL):
      for ch in range(_NCH):
        copies[t * _NCH + ch].wait()
      outs.append(
          pltpu.async_copy(rows_v.at[t],
                           out_hbm.at[t, pl.ds(w * _BPW, _BPW)], osem))
    for o in outs:
      o.wait()

  return k(idx3d, emb0, emb1, emb2)


_BLK = 1024


def _mlp_body(dx, s0, s1, s2, wb0, bb0, wb1, bb1,
              w0a, w0b, w0c, w0d, b0, w1, b1, w2, b2, out):
  x = jnp.maximum(dx[...] @ wb0[...] + bb0[...], 0.0)
  x = jnp.maximum(x @ wb1[...] + bb1[...], 0.0)
  h = (x @ w0a[...] + s0[...] @ w0b[...] + s1[...] @ w0c[...]
       + s2[...] @ w0d[...] + b0[...])
  h = jnp.maximum(h, 0.0)
  h = jnp.maximum(h @ w1[...] + b1[...], 0.0)
  out[...] = jax.nn.sigmoid(h @ w2[...] + b2[...])


def _tc_mlp(dense_x, s0, s1, s2, W_b0, b_b0, W_b1, b_b1,
            W_t0, b_t0, W_t1, b_t1, W_t2, b_t2):
  w0a, w0b, w0c, w0d = W_t0[:8], W_t0[8:40], W_t0[40:72], W_t0[72:104]
  row = lambda blk: pl.BlockSpec((_BLK, blk.shape[1]), lambda i: (i, 0))
  rep = lambda a: pl.BlockSpec(a.shape, lambda i: (0,) * a.ndim)
  args = (dense_x, s0, s1, s2, W_b0, b_b0.reshape(1, 8), W_b1,
          b_b1.reshape(1, 8), w0a, w0b, w0c, w0d, b_t0.reshape(1, 32),
          W_t1, b_t1.reshape(1, 16), W_t2, b_t2.reshape(1, 1))
  in_specs = [row(dense_x), row(s0), row(s1), row(s2)] + [
      rep(a) for a in args[4:]]
  return pl.pallas_call(
      _mlp_body,
      grid=(_B // _BLK,),
      in_specs=in_specs,
      out_specs=pl.BlockSpec((_BLK, 1), lambda i: (i, 0)),
      out_shape=jax.ShapeDtypeStruct((_B, 1), jnp.float32),
  )(*args)


def kernel(dense_x, sparse_indices, sparse_offsets, emb0, emb1, emb2,
           W_b0, b_b0, W_b1, b_b1, W_t0, b_t0, W_t1, b_t1, W_t2, b_t2):
  del sparse_offsets
  idx3d = sparse_indices.reshape(_TBL, _B // _CH, _CH)
  rows = _sc_gather(idx3d, emb0, emb1, emb2)
  return _tc_mlp(dense_x, rows[0], rows[1], rows[2],
                 W_b0, b_b0, W_b1, b_b1, W_t0, b_t0, W_t1, b_t1, W_t2, b_t2)

# --- scband reference (transcript-rebuilt; emitter-appended) ---
"""Pipeline reference for scband-micro-dlrmwhite-box-38439957299535 (READ-ONLY COPY).

The authoritative reference and input builder live on the scoring server;
editing this copy changes nothing except your own understanding.
"""

import jax, jax.numpy as jnp
import numpy as np

B = 16384
M = 32
V = 1000000
TABLES = 3


def setup_inputs(seed: int = 0) -> dict:
    key = jax.random.key(seed)
    ks = jax.random.split(key, 16)
    inp = {}
    inp["dense_x"] = jax.random.normal(ks[0], (B, 16), dtype=jnp.float32)
    inp["sparse_indices"] = jax.random.randint(ks[1], (TABLES, B), 0, V, dtype=jnp.int32)
    # EmbeddingBag offsets: one index per bag -> offsets = arange(B) per table row
    inp["sparse_offsets"] = jnp.tile(jnp.arange(B, dtype=jnp.int32), (TABLES, 1))
    # Embedding tables
    inp["emb0"] = jax.random.normal(ks[2], (V, M), dtype=jnp.float32) * 0.01
    inp["emb1"] = jax.random.normal(ks[3], (V, M), dtype=jnp.float32) * 0.01
    inp["emb2"] = jax.random.normal(ks[4], (V, M), dtype=jnp.float32) * 0.01
    # Bottom MLP: Linear(16,8)+ReLU, Linear(8,8)+ReLU
    inp["W_b0"] = jax.random.normal(ks[5], (16, 8), dtype=jnp.float32) * 0.1
    inp["b_b0"] = jnp.zeros((8,), dtype=jnp.float32)
    inp["W_b1"] = jax.random.normal(ks[6], (8, 8), dtype=jnp.float32) * 0.1
    inp["b_b1"] = jnp.zeros((8,), dtype=jnp.float32)
    # cross_dim = ln_bot[-1] + 3 * m_spa = 8 + 96 = 104
    # Top MLP: Linear(104,32)+ReLU, Linear(32,16)+ReLU, Linear(16,1)+Sigmoid
    inp["W_t0"] = jax.random.normal(ks[7], (104, 32), dtype=jnp.float32) * 0.1
    inp["b_t0"] = jnp.zeros((32,), dtype=jnp.float32)
    inp["W_t1"] = jax.random.normal(ks[8], (32, 16), dtype=jnp.float32) * 0.1
    inp["b_t1"] = jnp.zeros((16,), dtype=jnp.float32)
    inp["W_t2"] = jax.random.normal(ks[9], (16, 1), dtype=jnp.float32) * 0.1
    inp["b_t2"] = jnp.zeros((1,), dtype=jnp.float32)
    return inp


def _relu(x):
    return jnp.maximum(x, 0)


def _embedding_bag_sum(table, idx, offsets):
    # Faithful EmbeddingBag(mode='sum'): position j belongs to bag
    # searchsorted(offsets, j, 'right') - 1
    n = idx.shape[0]
    nbags = offsets.shape[0]
    seg = jnp.searchsorted(offsets, jnp.arange(n), side='right') - 1
    gathered = jnp.take(table, idx, axis=0)
    return jax.ops.segment_sum(gathered, seg, num_segments=nbags)


def reference(dense_x, sparse_indices, sparse_offsets, emb0, emb1, emb2,
              W_b0, b_b0, W_b1, b_b1, W_t0, b_t0, W_t1, b_t1, W_t2, b_t2):
    # Bottom MLP over dense features
    x = _relu(dense_x @ W_b0 + b_b0)
    x = _relu(x @ W_b1 + b_b1)
    # Sparse embedding lookups (EmbeddingBag sum)
    tables = [emb0, emb1, emb2]
    x_sparse = [_embedding_bag_sum(tables[i], sparse_indices[i], sparse_offsets[i])
                for i in range(TABLES)]
    # Feature interaction: concat
    interaction = jnp.concatenate([x] + x_sparse, axis=1)
    # Top MLP + sigmoid
    y = _relu(interaction @ W_t0 + b_t0)
    y = _relu(y @ W_t1 + b_t1)
    return jax.nn.sigmoid(y @ W_t2 + b_t2)

if __name__ == "__main__":
    import jax
    _d = setup_inputs()
    print(jax.jit(kernel)(*tuple(_d.values())))

</pallas_src>

<mosaic_0001>
#map = affine_map<(d0, d1) -> (0, 0, 0)>
#map1 = affine_map<(d0, d1) -> (0, 0)>
module attributes {stable_mosaic.version = 14 : i64} {
  func.func @k(%arg0: i32, %arg1: i32, %arg2: memref<3x128x128xi32, #tpu.memory_space<hbm>>, %arg3: memref<1000000x32xf32, #tpu.memory_space<hbm>>, %arg4: memref<1000000x32xf32, #tpu.memory_space<hbm>>, %arg5: memref<1000000x32xf32, #tpu.memory_space<hbm>>, %arg6: memref<3x16384x32xf32, #tpu.memory_space<hbm>>, %arg7: memref<3x4x128xi32, #tpu.memory_space<vmem>>, %arg8: memref<3x512x32xf32, #tpu.memory_space<vmem>>, %arg9: memref<!tpu.dma_semaphore, #tpu.memory_space<semaphore_mem>>, %arg10: memref<!tpu.dma_semaphore, #tpu.memory_space<semaphore_mem>>) attributes {dimension_semantics = [#tpu.dimension_semantics<core_parallel>, #tpu.dimension_semantics<subcore_parallel>], iteration_bounds = array<i64: 2, 16>, scalar_prefetch = 0 : i64, scratch_operands = 4 : i64, tpu.core_type = #tpu.core_type<sc_vector_subcore>, window_params = [{transform_indices = #map}, {transform_indices = #map1}, {transform_indices = #map1}, {transform_indices = #map1}, {transform_indices = #map}]} {
    %mul3A = arith.constant 2 : i32
    %mul3A_0 = arith.muli %arg1, %mul3A : i32
    %add3A = arith.addi %mul3A_0, %arg0 : i32
    %mul3A_1 = arith.constant 4 : i32
    %mul3A_2 = arith.muli %add3A, %mul3A_1 : i32
    "tpu.region"() ({
      %run_scoped3A = tpu.sem_alloc : memref<!tpu.dma_semaphore, #tpu.memory_space<semaphore_mem>>
      %dma_start3A_415 = arith.constant 0 : i32
      %dma_start3A_416 = arith.constant 0 : i32
      %dma_start3A_417 = tpu.memref_slice %arg2[%dma_start3A_415, %mul3A_2, %dma_start3A_416] : memref<3x128x128xi32, #tpu.memory_space<hbm>> -> memref<3x4x128xi32, #tpu.memory_space<hbm>>
      %dma_start3A_418 = arith.constant 0 : i32
      %dma_start3A_419 = arith.constant 0 : i32
      %dma_start3A_420 = tpu.memref_slice %arg2[%dma_start3A_418, %mul3A_2, %dma_start3A_419] : memref<3x128x128xi32, #tpu.memory_space<hbm>> -> memref<3x4x128xi32, #tpu.memory_space<hbm>>
      tpu.enqueue_dma source(%dma_start3A_420 : memref<3x4x128xi32, #tpu.memory_space<hbm>>) target(%arg7 : memref<3x4x128xi32, #tpu.memory_space<vmem>>) target_semaphore(%run_scoped3A : memref<!tpu.dma_semaphore, #tpu.memory_space<semaphore_mem>>)
      %dma_wait3A_421 = arith.constant 0 : i32
      %dma_wait3A_422 = arith.constant 0 : i32
      %dma_wait3A_423 = tpu.memref_slice %arg2[%dma_wait3A_421, %mul3A_2, %dma_wait3A_422] : memref<3x128x128xi32, #tpu.memory_space<hbm>> -> memref<3x4x128xi32, #tpu.memory_space<hbm>>
      %dma_wait3A_424 = arith.constant 0 : i32
      %dma_wait3A_425 = arith.constant 0 : i32
      %dma_wait3A_426 = tpu.memref_slice %arg2[%dma_wait3A_424, %mul3A_2, %dma_wait3A_425] : memref<3x128x128xi32, #tpu.memory_space<hbm>> -> memref<3x4x128xi32, #tpu.memory_space<hbm>>
      tpu.wait_dma2 semaphore(%run_scoped3A : memref<!tpu.dma_semaphore, #tpu.memory_space<semaphore_mem>>) src(%dma_wait3A_426 : memref<3x4x128xi32, #tpu.memory_space<hbm>>) dst(%arg7 : memref<3x4x128xi32, #tpu.memory_space<vmem>>)
      tpu.yield
    }) : () -> ()
    %dma_start3A = arith.constant 0 : i32
    %dma_start3A_3 = arith.constant 0 : i32
    %dma_start3A_4 = arith.constant 0 : i32
    %dma_start3A_5 = arith.constant 0 : i32
    %dma_start3A_6 = arith.constant 0 : i32
    %dma_start3A_7 = tpu.memref_slice %arg8[%dma_start3A_4, %dma_start3A_5, %dma_start3A_6] : memref<3x512x32xf32, #tpu.memory_space<vmem>> -> memref<1x128x32xf32, #tpu.memory_space<vmem>>
    %dma_start3A_8 = tpu.memref_squeeze %dma_start3A_7 : memref<1x128x32xf32, #tpu.memory_space<vmem>> -> memref<128x32xf32, #tpu.memory_space<vmem>>
    %dma_start3A_9 = arith.constant 0 : i32
    %dma_start3A_10 = tpu.memref_slice %arg7[%dma_start3A, %dma_start3A_3, %dma_start3A_9] : memref<3x4x128xi32, #tpu.memory_space<vmem>> -> memref<1x1x128xi32, #tpu.memory_space<vmem>>
    %dma_start3A_11 = tpu.memref_squeeze %dma_start3A_10 : memref<1x1x128xi32, #tpu.memory_space<vmem>> -> memref<128xi32, #tpu.memory_space<vmem>>
    %dma_start3A_12 = arith.constant 0 : i32
    %dma_start3A_13 = arith.constant 0 : i32
    %dma_start3A_14 = tpu.memref_slice %arg3[%dma_start3A_12, %dma_start3A_13] : memref<1000000x32xf32, #tpu.memory_space<hbm>> -> memref<1000000x32xf32, #tpu.memory_space<hbm>>
    tpu.enqueue_indirect_dma source(%dma_start3A_14 : memref<1000000x32xf32, #tpu.memory_space<hbm>>) target(%dma_start3A_8 : memref<128x32xf32, #tpu.memory_space<vmem>>) offsets(%dma_start3A_11 : memref<128xi32, #tpu.memory_space<vmem>>) semaphore(%arg9 : memref<!tpu.dma_semaphore, #tpu.memory_space<semaphore_mem>>)
    %dma_start3A_15 = arith.constant 0 : i32
    %dma_start3A_16 = arith.constant 1 : i32
    %dma_start3A_17 = arith.constant 0 : i32
    %dma_start3A_18 = arith.constant 128 : i32
    %dma_start3A_19 = arith.constant 0 : i32
    %dma_start3A_20 = tpu.memref_slice %arg8[%dma_start3A_17, %dma_start3A_18, %dma_start3A_19] : memref<3x512x32xf32, #tpu.memory_space<vmem>> -> memref<1x128x32xf32, #tpu.memory_space<vmem>>
    %dma_start3A_21 = tpu.memref_squeeze %dma_start3A_20 : memref<1x128x32xf32, #tpu.memory_space<vmem>> -> memref<128x32xf32, #tpu.memory_space<vmem>>
    %dma_start3A_22 = arith.constant 0 : i32
    %dma_start3A_23 = tpu.memref_slice %arg7[%dma_start3A_15, %dma_start3A_16, %dma_start3A_22] : memref<3x4x128xi32, #tpu.memory_space<vmem>> -> memref<1x1x128xi32, #tpu.memory_space<vmem>>
    %dma_start3A_24 = tpu.memref_squeeze %dma_start3A_23 : memref<1x1x128xi32, #tpu.memory_space<vmem>> -> memref<128xi32, #tpu.memory_space<vmem>>
    %dma_start3A_25 = arith.constant 0 : i32
    %dma_start3A_26 = arith.constant 0 : i32
    %dma_start3A_27 = tpu.memref_slice %arg3[%dma_start3A_25, %dma_start3A_26] : memref<1000000x32xf32, #tpu.memory_space<hbm>> -> memref<1000000x32xf32, #tpu.memory_space<hbm>>
    tpu.enqueue_indirect_dma source(%dma_start3A_27 : memref<1000000x32xf32, #tpu.memory_space<hbm>>) target(%dma_start3A_21 : memref<128x32xf32, #tpu.memory_space<vmem>>) offsets(%dma_start3A_24 : memref<128xi32, #tpu.memory_space<vmem>>) semaphore(%arg9 : memref<!tpu.dma_semaphore, #tpu.memory_space<semaphore_mem>>)
    %dma_start3A_28 = arith.constant 0 : i32
    %dma_start3A_29 = arith.constant 2 : i32
    %dma_start3A_30 = arith.constant 0 : i32
    %dma_start3A_31 = arith.constant 256 : i32
    %dma_start3A_32 = arith.constant 0 : i32
    %dma_start3A_33 = tpu.memref_slice %arg8[%dma_start3A_30, %dma_start3A_31, %dma_start3A_32] : memref<3x512x32xf32, #tpu.memory_space<vmem>> -> memref<1x128x32xf32, #tpu.memory_space<vmem>>
    %dma_start3A_34 = tpu.memref_squeeze %dma_start3A_33 : memref<1x128x32xf32, #tpu.memory_space<vmem>> -> memref<128x32xf32, #tpu.memory_space<vmem>>
    %dma_start3A_35 = arith.constant 0 : i32
    %dma_start3A_36 = tpu.memref_slice %arg7[%dma_start3A_28, %dma_start3A_29, %dma_start3A_35] : memref<3x4x128xi32, #tpu.memory_space<vmem>> -> memref<1x1x128xi32, #tpu.memory_space<vmem>>
    %dma_start3A_37 = tpu.memref_squeeze %dma_start3A_36 : memref<1x1x128xi32, #tpu.memory_space<vmem>> -> memref<128xi32, #tpu.memory_space<vmem>>
    %dma_start3A_38 = arith.constant 0 : i32
    %dma_start3A_39 = arith.constant 0 : i32
    %dma_start3A_40 = tpu.memref_slice %arg3[%dma_start3A_38, %dma_start3A_39] : memref<1000000x32xf32, #tpu.memory_space<hbm>> -> memref<1000000x32xf32, #tpu.memory_space<hbm>>
    tpu.enqueue_indirect_dma source(%dma_start3A_40 : memref<1000000x32xf32, #tpu.memory_space<hbm>>) target(%dma_start3A_34 : memref<128x32xf32, #tpu.memory_space<vmem>>) offsets(%dma_start3A_37 : memref<128xi32, #tpu.memory_space<vmem>>) semaphore(%arg9 : memref<!tpu.dma_semaphore, #tpu.memory_space<semaphore_mem>>)
    %dma_start3A_41 = arith.constant 0 : i32
    %dma_start3A_42 = arith.constant 3 : i32
    %dma_start3A_43 = arith.constant 0 : i32
    %dma_start3A_44 = arith.constant 384 : i32
    %dma_start3A_45 = arith.constant 0 : i32
    %dma_start3A_46 = tpu.memref_slice %arg8[%dma_start3A_43, %dma_start3A_44, %dma_start3A_45] : memref<3x512x32xf32, #tpu.memory_space<vmem>> -> memref<1x128x32xf32, #tpu.memory_space<vmem>>
    %dma_start3A_47 = tpu.memref_squeeze %dma_start3A_46 : memref<1x128x32xf32, #tpu.memory_space<vmem>> -> memref<128x32xf32, #tpu.memory_space<vmem>>
    %dma_start3A_48 = arith.constant 0 : i32
    %dma_start3A_49 = tpu.memref_slice %arg7[%dma_start3A_41, %dma_start3A_42, %dma_start3A_48] : memref<3x4x128xi32, #tpu.memory_space<vmem>> -> memref<1x1x128xi32, #tpu.memory_space<vmem>>
    %dma_start3A_50 = tpu.memref_squeeze %dma_start3A_49 : memref<1x1x128xi32, #tpu.memory_space<vmem>> -> memref<128xi32, #tpu.memory_space<vmem>>
    %dma_start3A_51 = arith.constant 0 : i32
    %dma_start3A_52 = arith.constant 0 : i32
    %dma_start3A_53 = tpu.memref_slice %arg3[%dma_start3A_51, %dma_start3A_52] : memref<1000000x32xf32, #tpu.memory_space<hbm>> -> memref<1000000x32xf32, #tpu.memory_space<hbm>>
    tpu.enqueue_indirect_dma source(%dma_start3A_53 : memref<1000000x32xf32, #tpu.memory_space<hbm>>) target(%dma_start3A_47 : memref<128x32xf32, #tpu.memory_space<vmem>>) offsets(%dma_start3A_50 : memref<128xi32, #tpu.memory_space<vmem>>) semaphore(%arg9 : memref<!tpu.dma_semaphore, #tpu.memory_space<semaphore_mem>>)
    %dma_start3A_54 = arith.constant 1 : i32
    %dma_start3A_55 = arith.constant 0 : i32
    %dma_start3A_56 = arith.constant 1 : i32
    %dma_start3A_57 = arith.constant 0 : i32
    %dma_start3A_58 = arith.constant 0 : i32
    %dma_start3A_59 = tpu.memref_slice %arg8[%dma_start3A_56, %dma_start3A_57, %dma_start3A_58] : memref<3x512x32xf32, #tpu.memory_space<vmem>> -> memref<1x128x32xf32, #tpu.memory_space<vmem>>
    %dma_start3A_60 = tpu.memref_squeeze %dma_start3A_59 : memref<1x128x32xf32, #tpu.memory_space<vmem>> -> memref<128x32xf32, #tpu.memory_space<vmem>>
    %dma_start3A_61 = arith.constant 0 : i32
    %dma_start3A_62 = tpu.memref_slice %arg7[%dma_start3A_54, %dma_start3A_55, %dma_start3A_61] : memref<3x4x128xi32, #tpu.memory_space<vmem>> -> memref<1x1x128xi32, #tpu.memory_space<vmem>>
    %dma_start3A_63 = tpu.memref_squeeze %dma_start3A_62 : memref<1x1x128xi32, #tpu.memory_space<vmem>> -> memref<128xi32, #tpu.memory_space<vmem>>
    %dma_start3A_64 = arith.constant 0 : i32
    %dma_start3A_65 = arith.constant 0 : i32
    %dma_start3A_66 = tpu.memref_slice %arg4[%dma_start3A_64, %dma_start3A_65] : memref<1000000x32xf32, #tpu.memory_space<hbm>> -> memref<1000000x32xf32, #tpu.memory_space<hbm>>
    tpu.enqueue_indirect_dma source(%dma_start3A_66 : memref<1000000x32xf32, #tpu.memory_space<hbm>>) target(%dma_start3A_60 : memref<128x32xf32, #tpu.memory_space<vmem>>) offsets(%dma_start3A_63 : memref<128xi32, #tpu.memory_space<vmem>>) semaphore(%arg9 : memref<!tpu.dma_semaphore, #tpu.memory_space<semaphore_mem>>)
    %dma_start3A_67 = arith.constant 1 : i32
    %dma_start3A_68 = arith.constant 1 : i32
    %dma_start3A_69 = arith.constant 1 : i32
    %dma_start3A_70 = arith.constant 128 : i32
    %dma_start3A_71 = arith.constant 0 : i32
    %dma_start3A_72 = tpu.memref_slice %arg8[%dma_start3A_69, %dma_start3A_70, %dma_start3A_71] : memref<3x512x32xf32, #tpu.memory_space<vmem>> -> memref<1x128x32xf32, #tpu.memory_space<vmem>>
    %dma_start3A_73 = tpu.memref_squeeze %dma_start3A_72 : memref<1x128x32xf32, #tpu.memory_space<vmem>> -> memref<128x32xf32, #tpu.memory_space<vmem>>
    %dma_start3A_74 = arith.constant 0 : i32
    %dma_start3A_75 = tpu.memref_slice %arg7[%dma_start3A_67, %dma_start3A_68, %dma_start3A_74] : memref<3x4x128xi32, #tpu.memory_space<vmem>> -> memref<1x1x128xi32, #tpu.memory_space<vmem>>
    %dma_start3A_76 = tpu.memref_squeeze %dma_start3A_75 : memref<1x1x128xi32, #tpu.memory_space<vmem>> -> memref<128xi32, #tpu.memory_space<vmem>>
    %dma_start3A_77 = arith.constant 0 : i32
    %dma_start3A_78 = arith.constant 0 : i32
    %dma_start3A_79 = tpu.memref_slice %arg4[%dma_start3A_77, %dma_start3A_78] : memref<1000000x32xf32, #tpu.memory_space<hbm>> -> memref<1000000x32xf32, #tpu.memory_space<hbm>>
    tpu.enqueue_indirect_dma source(%dma_start3A_79 : memref<1000000x32xf32, #tpu.memory_space<hbm>>) target(%dma_start3A_73 : memref<128x32xf32, #tpu.memory_space<vmem>>) offsets(%dma_start3A_76 : memref<128xi32, #tpu.memory_space<vmem>>) semaphore(%arg9 : memref<!tpu.dma_semaphore, #tpu.memory_space<semaphore_mem>>)
    %dma_start3A_80 = arith.constant 1 : i32
    %dma_start3A_81 = arith.constant 2 : i32
    %dma_start3A_82 = arith.constant 1 : i32
    %dma_start3A_83 = arith.constant 256 : i32
    %dma_start3A_84 = arith.constant 0 : i32
    %dma_start3A_85 = tpu.memref_slice %arg8[%dma_start3A_82, %dma_start3A_83, %dma_start3A_84] : memref<3x512x32xf32, #tpu.memory_space<vmem>> -> memref<1x128x32xf32, #tpu.memory_space<vmem>>
    %dma_start3A_86 = tpu.memref_squeeze %dma_start3A_85 : memref<1x128x32xf32, #tpu.memory_space<vmem>> -> memref<128x32xf32, #tpu.memory_space<vmem>>
    %dma_start3A_87 = arith.constant 0 : i32
    %dma_start3A_88 = tpu.memref_slice %arg7[%dma_start3A_80, %dma_start3A_81, %dma_start3A_87] : memref<3x4x128xi32, #tpu.memory_space<vmem>> -> memref<1x1x128xi32, #tpu.memory_space<vmem>>
    %dma_start3A_89 = tpu.memref_squeeze %dma_start3A_88 : memref<1x1x128xi32, #tpu.memory_space<vmem>> -> memref<128xi32, #tpu.memory_space<vmem>>
    %dma_start3A_90 = arith.constant 0 : i32
    %dma_start3A_91 = arith.constant 0 : i32
    %dma_start3A_92 = tpu.memref_slice %arg4[%dma_start3A_90, %dma_start3A_91] : memref<1000000x32xf32, #tpu.memory_space<hbm>> -> memref<1000000x32xf32, #tpu.memory_space<hbm>>
    tpu.enqueue_indirect_dma source(%dma_start3A_92 : memref<1000000x32xf32, #tpu.memory_space<hbm>>) target(%dma_start3A_86 : memref<128x32xf32, #tpu.memory_space<vmem>>) offsets(%dma_start3A_89 : memref<128xi32, #tpu.memory_space<vmem>>) semaphore(%arg9 : memref<!tpu.dma_semaphore, #tpu.memory_space<semaphore_mem>>)
    %dma_start3A_93 = arith.constant 1 : i32
    %dma_start3A_94 = arith.constant 3 : i32
    %dma_start3A_95 = arith.constant 1 : i32
    %dma_start3A_96 = arith.constant 384 : i32
    %dma_start3A_97 = arith.constant 0 : i32
    %dma_start3A_98 = tpu.memref_slice %arg8[%dma_start3A_95, %dma_start3A_96, %dma_start3A_97] : memref<3x512x32xf32, #tpu.memory_space<vmem>> -> memref<1x128x32xf32, #tpu.memory_space<vmem>>
    %dma_start3A_99 = tpu.memref_squeeze %dma_start3A_98 : memref<1x128x32xf32, #tpu.memory_space<vmem>> -> memref<128x32xf32, #tpu.memory_space<vmem>>
    %dma_start3A_100 = arith.constant 0 : i32
    %dma_start3A_101 = tpu.memref_slice %arg7[%dma_start3A_93, %dma_start3A_94, %dma_start3A_100] : memref<3x4x128xi32, #tpu.memory_space<vmem>> -> memref<1x1x128xi32, #tpu.memory_space<vmem>>
    %dma_start3A_102 = tpu.memref_squeeze %dma_start3A_101 : memref<1x1x128xi32, #tpu.memory_space<vmem>> -> memref<128xi32, #tpu.memory_space<vmem>>
    %dma_start3A_103 = arith.constant 0 : i32
    %dma_start3A_104 = arith.constant 0 : i32
    %dma_start3A_105 = tpu.memref_slice %arg4[%dma_start3A_103, %dma_start3A_104] : memref<1000000x32xf32, #tpu.memory_space<hbm>> -> memref<1000000x32xf32, #tpu.memory_space<hbm>>
    tpu.enqueue_indirect_dma source(%dma_start3A_105 : memref<1000000x32xf32, #tpu.memory_space<hbm>>) target(%dma_start3A_99 : memref<128x32xf32, #tpu.memory_space<vmem>>) offsets(%dma_start3A_102 : memref<128xi32, #tpu.memory_space<vmem>>) semaphore(%arg9 : memref<!tpu.dma_semaphore, #tpu.memory_space<semaphore_mem>>)
    %dma_start3A_106 = arith.constant 2 : i32
    %dma_start3A_107 = arith.constant 0 : i32
    %dma_start3A_108 = arith.constant 2 : i32
    %dma_start3A_109 = arith.constant 0 : i32
    %dma_start3A_110 = arith.constant 0 : i32
    %dma_start3A_111 = tpu.memref_slice %arg8[%dma_start3A_108, %dma_start3A_109, %dma_start3A_110] : memref<3x512x32xf32, #tpu.memory_space<vmem>> -> memref<1x128x32xf32, #tpu.memory_space<vmem>>
    %dma_start3A_112 = tpu.memref_squeeze %dma_start3A_111 : memref<1x128x32xf32, #tpu.memory_space<vmem>> -> memref<128x32xf32, #tpu.memory_space<vmem>>
    %dma_start3A_113 = arith.constant 0 : i32
    %dma_start3A_114 = tpu.memref_slice %arg7[%dma_start3A_106, %dma_start3A_107, %dma_start3A_113] : memref<3x4x128xi32, #tpu.memory_space<vmem>> -> memref<1x1x128xi32, #tpu.memory_space<vmem>>
    %dma_start3A_115 = tpu.memref_squeeze %dma_start3A_114 : memref<1x1x128xi32, #tpu.memory_space<vmem>> -> memref<128xi32, #tpu.memory_space<vmem>>
    %dma_start3A_116 = arith.constant 0 : i32
    %dma_start3A_117 = arith.constant 0 : i32
    %dma_start3A_118 = tpu.memref_slice %arg5[%dma_start3A_116, %dma_start3A_117] : memref<1000000x32xf32, #tpu.memory_space<hbm>> -> memref<1000000x32xf32, #tpu.memory_space<hbm>>
    tpu.enqueue_indirect_dma source(%dma_start3A_118 : memref<1000000x32xf32, #tpu.memory_space<hbm>>) target(%dma_start3A_112 : memref<128x32xf32, #tpu.memory_space<vmem>>) offsets(%dma_start3A_115 : memref<128xi32, #tpu.memory_space<vmem>>) semaphore(%arg9 : memref<!tpu.dma_semaphore, #tpu.memory_space<semaphore_mem>>)
    %dma_start3A_119 = arith.constant 2 : i32
    %dma_start3A_120 = arith.constant 1 : i32
    %dma_start3A_121 = arith.constant 2 : i32
    %dma_start3A_122 = arith.constant 128 : i32
    %dma_start3A_123 = arith.constant 0 : i32
    %dma_start3A_124 = tpu.memref_slice %arg8[%dma_start3A_121, %dma_start3A_122, %dma_start3A_123] : memref<3x512x32xf32, #tpu.memory_space<vmem>> -> memref<1x128x32xf32, #tpu.memory_space<vmem>>
    %dma_start3A_125 = tpu.memref_squeeze %dma_start3A_124 : memref<1x128x32xf32, #tpu.memory_space<vmem>> -> memref<128x32xf32, #tpu.memory_space<vmem>>
    %dma_start3A_126 = arith.constant 0 : i32
    %dma_start3A_127 = tpu.memref_slice %arg7[%dma_start3A_119, %dma_start3A_120, %dma_start3A_126] : memref<3x4x128xi32, #tpu.memory_space<vmem>> -> memref<1x1x128xi32, #tpu.memory_space<vmem>>
    %dma_start3A_128 = tpu.memref_squeeze %dma_start3A_127 : memref<1x1x128xi32, #tpu.memory_space<vmem>> -> memref<128xi32, #tpu.memory_space<vmem>>
    %dma_start3A_129 = arith.constant 0 : i32
    %dma_start3A_130 = arith.constant 0 : i32
    %dma_start3A_131 = tpu.memref_slice %arg5[%dma_start3A_129, %dma_start3A_130] : memref<1000000x32xf32, #tpu.memory_space<hbm>> -> memref<1000000x32xf32, #tpu.memory_space<hbm>>
    tpu.enqueue_indirect_dma source(%dma_start3A_131 : memref<1000000x32xf32, #tpu.memory_space<hbm>>) target(%dma_start3A_125 : memref<128x32xf32, #tpu.memory_space<vmem>>) offsets(%dma_start3A_128 : memref<128xi32, #tpu.memory_space<vmem>>) semaphore(%arg9 : memref<!tpu.dma_semaphore, #tpu.memory_space<semaphore_mem>>)
    %dma_start3A_132 = arith.constant 2 : i32
    %dma_start3A_133 = arith.constant 2 : i32
    %dma_start3A_134 = arith.constant 2 : i32
    %dma_start3A_135 = arith.constant 256 : i32
    %dma_start3A_136 = arith.constant 0 : i32
    %dma_start3A_137 = tpu.memref_slice %arg8[%dma_start3A_134, %dma_start3A_135, %dma_start3A_136] : memref<3x512x32xf32, #tpu.memory_space<vmem>> -> memref<1x128x32xf32, #tpu.memory_space<vmem>>
    %dma_start3A_138 = tpu.memref_squeeze %dma_start3A_137 : memref<1x128x32xf32, #tpu.memory_space<vmem>> -> memref<128x32xf32, #tpu.memory_space<vmem>>
    %dma_start3A_139 = arith.constant 0 : i32
    %dma_start3A_140 = tpu.memref_slice %arg7[%dma_start3A_132, %dma_start3A_133, %dma_start3A_139] : memref<3x4x128xi32, #tpu.memory_space<vmem>> -> memref<1x1x128xi32, #tpu.memory_space<vmem>>
    %dma_start3A_141 = tpu.memref_squeeze %dma_start3A_140 : memref<1x1x128xi32, #tpu.memory_space<vmem>> -> memref<128xi32, #tpu.memory_space<vmem>>
    %dma_start3A_142 = arith.constant 0 : i32
    %dma_start3A_143 = arith.constant 0 : i32
    %dma_start3A_144 = tpu.memref_slice %arg5[%dma_start3A_142, %dma_start3A_143] : memref<1000000x32xf32, #tpu.memory_space<hbm>> -> memref<1000000x32xf32, #tpu.memory_space<hbm>>
    tpu.enqueue_indirect_dma source(%dma_start3A_144 : memref<1000000x32xf32, #tpu.memory_space<hbm>>) target(%dma_start3A_138 : memref<128x32xf32, #tpu.memory_space<vmem>>) offsets(%dma_start3A_141 : memref<128xi32, #tpu.memory_space<vmem>>) semaphore(%arg9 : memref<!tpu.dma_semaphore, #tpu.memory_space<semaphore_mem>>)
    %dma_start3A_145 = arith.constant 2 : i32
    %dma_start3A_146 = arith.constant 3 : i32
    %dma_start3A_147 = arith.constant 2 : i32
    %dma_start3A_148 = arith.constant 384 : i32
    %dma_start3A_149 = arith.constant 0 : i32
    %dma_start3A_150 = tpu.memref_slice %arg8[%dma_start3A_147, %dma_start3A_148, %dma_start3A_149] : memref<3x512x32xf32, #tpu.memory_space<vmem>> -> memref<1x128x32xf32, #tpu.memory_space<vmem>>
    %dma_start3A_151 = tpu.memref_squeeze %dma_start3A_150 : memref<1x128x32xf32, #tpu.memory_space<vmem>> -> memref<128x32xf32, #tpu.memory_space<vmem>>
    %dma_start3A_152 = arith.constant 0 : i32
    %dma_start3A_153 = tpu.memref_slice %arg7[%dma_start3A_145, %dma_start3A_146, %dma_start3A_152] : memref<3x4x128xi32, #tpu.memory_space<vmem>> -> memref<1x1x128xi32, #tpu.memory_space<vmem>>
    %dma_start3A_154 = tpu.memref_squeeze %dma_start3A_153 : memref<1x1x128xi32, #tpu.memory_space<vmem>> -> memref<128xi32, #tpu.memory_space<vmem>>
    %dma_start3A_155 = arith.constant 0 : i32
    %dma_start3A_156 = arith.constant 0 : i32
    %dma_start3A_157 = tpu.memref_slice %arg5[%dma_start3A_155, %dma_start3A_156] : memref<1000000x32xf32, #tpu.memory_space<hbm>> -> memref<1000000x32xf32, #tpu.memory_space<hbm>>
    tpu.enqueue_indirect_dma source(%dma_start3A_157 : memref<1000000x32xf32, #tpu.memory_space<hbm>>) target(%dma_start3A_151 : memref<128x32xf32, #tpu.memory_space<vmem>>) offsets(%dma_start3A_154 : memref<128xi32, #tpu.memory_space<vmem>>) semaphore(%arg9 : memref<!tpu.dma_semaphore, #tpu.memory_space<semaphore_mem>>)
    %dma_wait3A = arith.constant 0 : i32
    %dma_wait3A_158 = arith.constant 0 : i32
    %dma_wait3A_159 = arith.constant 0 : i32
    %dma_wait3A_160 = arith.constant 0 : i32
    %dma_wait3A_161 = arith.constant 0 : i32
    %dma_wait3A_162 = tpu.memref_slice %arg8[%dma_wait3A_159, %dma_wait3A_160, %dma_wait3A_161] : memref<3x512x32xf32, #tpu.memory_space<vmem>> -> memref<1x128x32xf32, #tpu.memory_space<vmem>>
    %dma_wait3A_163 = tpu.memref_squeeze %dma_wait3A_162 : memref<1x128x32xf32, #tpu.memory_space<vmem>> -> memref<128x32xf32, #tpu.memory_space<vmem>>
    %dma_wait3A_164 = arith.constant 0 : i32
    %dma_wait3A_165 = tpu.memref_slice %arg7[%dma_wait3A, %dma_wait3A_158, %dma_wait3A_164] : memref<3x4x128xi32, #tpu.memory_space<vmem>> -> memref<1x1x128xi32, #tpu.memory_space<vmem>>
    %dma_wait3A_166 = tpu.memref_squeeze %dma_wait3A_165 : memref<1x1x128xi32, #tpu.memory_space<vmem>> -> memref<128xi32, #tpu.memory_space<vmem>>
    %dma_wait3A_167 = arith.constant 0 : i32
    %dma_wait3A_168 = arith.constant 0 : i32
    %dma_wait3A_169 = tpu.memref_slice %arg3[%dma_wait3A_167, %dma_wait3A_168] : memref<1000000x32xf32, #tpu.memory_space<hbm>> -> memref<1000000x32xf32, #tpu.memory_space<hbm>>
    tpu.wait_indirect_dma semaphore(%arg9 : memref<!tpu.dma_semaphore, #tpu.memory_space<semaphore_mem>>) src(%dma_wait3A_169 : memref<1000000x32xf32, #tpu.memory_space<hbm>>) dst(%dma_wait3A_163 : memref<128x32xf32, #tpu.memory_space<vmem>>)
    %dma_wait3A_170 = arith.constant 0 : i32
    %dma_wait3A_171 = arith.constant 1 : i32
    %dma_wait3A_172 = arith.constant 0 : i32
    %dma_wait3A_173 = arith.constant 128 : i32
    %dma_wait3A_174 = arith.constant 0 : i32
    %dma_wait3A_175 = tpu.memref_slice %arg8[%dma_wait3A_172, %dma_wait3A_173, %dma_wait3A_174] : memref<3x512x32xf32, #tpu.memory_space<vmem>> -> memref<1x128x32xf32, #tpu.memory_space<vmem>>
    %dma_wait3A_176 = tpu.memref_squeeze %dma_wait3A_175 : memref<1x128x32xf32, #tpu.memory_space<vmem>> -> memref<128x32xf32, #tpu.memory_space<vmem>>
    %dma_wait3A_177 = arith.constant 0 : i32
    %dma_wait3A_178 = tpu.memref_slice %arg7[%dma_wait3A_170, %dma_wait3A_171, %dma_wait3A_177] : memref<3x4x128xi32, #tpu.memory_space<vmem>> -> memref<1x1x128xi32, #tpu.memory_space<vmem>>
    %dma_wait3A_179 = tpu.memref_squeeze %dma_wait3A_178 : memref<1x1x128xi32, #tpu.memory_space<vmem>> -> memref<128xi32, #tpu.memory_space<vmem>>
    %dma_wait3A_180 = arith.constant 0 : i32
    %dma_wait3A_181 = arith.constant 0 : i32
    %dma_wait3A_182 = tpu.memref_slice %arg3[%dma_wait3A_180, %dma_wait3A_181] : memref<1000000x32xf32, #tpu.memory_space<hbm>> -> memref<1000000x32xf32, #tpu.memory_space<hbm>>
    tpu.wait_indirect_dma semaphore(%arg9 : memref<!tpu.dma_semaphore, #tpu.memory_space<semaphore_mem>>) src(%dma_wait3A_182 : memref<1000000x32xf32, #tpu.memory_space<hbm>>) dst(%dma_wait3A_176 : memref<128x32xf32, #tpu.memory_space<vmem>>)
    %dma_wait3A_183 = arith.constant 0 : i32
    %dma_wait3A_184 = arith.constant 2 : i32
    %dma_wait3A_185 = arith.constant 0 : i32
    %dma_wait3A_186 = arith.constant 256 : i32
    %dma_wait3A_187 = arith.constant 0 : i32
    %dma_wait3A_188 = tpu.memref_slice %arg8[%dma_wait3A_185, %dma_wait3A_186, %dma_wait3A_187] : memref<3x512x32xf32, #tpu.memory_space<vmem>> -> memref<1x128x32xf32, #tpu.memory_space<vmem>>
    %dma_wait3A_189 = tpu.memref_squeeze %dma_wait3A_188 : memref<1x128x32xf32, #tpu.memory_space<vmem>> -> memref<128x32xf32, #tpu.memory_space<vmem>>
    %dma_wait3A_190 = arith.constant 0 : i32
    %dma_wait3A_191 = tpu.memref_slice %arg7[%dma_wait3A_183, %dma_wait3A_184, %dma_wait3A_190] : memref<3x4x128xi32, #tpu.memory_space<vmem>> -> memref<1x1x128xi32, #tpu.memory_space<vmem>>
    %dma_wait3A_192 = tpu.memref_squeeze %dma_wait3A_191 : memref<1x1x128xi32, #tpu.memory_space<vmem>> -> memref<128xi32, #tpu.memory_space<vmem>>
    %dma_wait3A_193 = arith.constant 0 : i32
    %dma_wait3A_194 = arith.constant 0 : i32
    %dma_wait3A_195 = tpu.memref_slice %arg3[%dma_wait3A_193, %dma_wait3A_194] : memref<1000000x32xf32, #tpu.memory_space<hbm>> -> memref<1000000x32xf32, #tpu.memory_space<hbm>>
    tpu.wait_indirect_dma semaphore(%arg9 : memref<!tpu.dma_semaphore, #tpu.memory_space<semaphore_mem>>) src(%dma_wait3A_195 : memref<1000000x32xf32, #tpu.memory_space<hbm>>) dst(%dma_wait3A_189 : memref<128x32xf32, #tpu.memory_space<vmem>>)
    %dma_wait3A_196 = arith.constant 0 : i32
    %dma_wait3A_197 = arith.constant 3 : i32
    %dma_wait3A_198 = arith.constant 0 : i32
    %dma_wait3A_199 = arith.constant 384 : i32
    %dma_wait3A_200 = arith.constant 0 : i32
    %dma_wait3A_201 = tpu.memref_slice %arg8[%dma_wait3A_198, %dma_wait3A_199, %dma_wait3A_200] : memref<3x512x32xf32, #tpu.memory_space<vmem>> -> memref<1x128x32xf32, #tpu.memory_space<vmem>>
    %dma_wait3A_202 = tpu.memref_squeeze %dma_wait3A_201 : memref<1x128x32xf32, #tpu.memory_space<vmem>> -> memref<128x32xf32, #tpu.memory_space<vmem>>
    %dma_wait3A_203 = arith.constant 0 : i32
    %dma_wait3A_204 = tpu.memref_slice %arg7[%dma_wait3A_196, %dma_wait3A_197, %dma_wait3A_203] : memref<3x4x128xi32, #tpu.memory_space<vmem>> -> memref<1x1x128xi32, #tpu.memory_space<vmem>>
    %dma_wait3A_205 = tpu.memref_squeeze %dma_wait3A_204 : memref<1x1x128xi32, #tpu.memory_space<vmem>> -> memref<128xi32, #tpu.memory_space<vmem>>
    %dma_wait3A_206 = arith.constant 0 : i32
    %dma_wait3A_207 = arith.constant 0 : i32
    %dma_wait3A_208 = tpu.memref_slice %arg3[%dma_wait3A_206, %dma_wait3A_207] : memref<1000000x32xf32, #tpu.memory_space<hbm>> -> memref<1000000x32xf32, #tpu.memory_space<hbm>>
    tpu.wait_indirect_dma semaphore(%arg9 : memref<!tpu.dma_semaphore, #tpu.memory_space<semaphore_mem>>) src(%dma_wait3A_208 : memref<1000000x32xf32, #tpu.memory_space<hbm>>) dst(%dma_wait3A_202 : memref<128x32xf32, #tpu.memory_space<vmem>>)
    %mul3A_209 = arith.constant 512 : i32
    %mul3A_210 = arith.muli %add3A, %mul3A_209 : i32
    %dma_start3A_211 = arith.constant 0 : i32
    %dma_start3A_212 = arith.constant 0 : i32
    %dma_start3A_213 = arith.constant 0 : i32
    %dma_start3A_214 = arith.constant 0 : i32
    %dma_start3A_215 = tpu.memref_slice %arg8[%dma_start3A_211, %dma_start3A_213, %dma_start3A_214] : memref<3x512x32xf32, #tpu.memory_space<vmem>> -> memref<1x512x32xf32, #tpu.memory_space<vmem>>
    %dma_start3A_216 = tpu.memref_squeeze %dma_start3A_215 : memref<1x512x32xf32, #tpu.memory_space<vmem>> -> memref<512x32xf32, #tpu.memory_space<vmem>>
    %dma_start3A_217 = arith.constant 0 : i32
    %dma_start3A_218 = tpu.memref_slice %arg6[%dma_start3A_212, %mul3A_210, %dma_start3A_217] : memref<3x16384x32xf32, #tpu.memory_space<hbm>> -> memref<1x512x32xf32, #tpu.memory_space<hbm>>
    %dma_start3A_219 = tpu.memref_squeeze %dma_start3A_218 : memref<1x512x32xf32, #tpu.memory_space<hbm>> -> memref<512x32xf32, #tpu.memory_space<hbm>>
    %dma_start3A_220 = arith.constant 0 : i32
    %dma_start3A_221 = tpu.memref_slice %arg6[%dma_start3A_212, %mul3A_210, %dma_start3A_220] : memref<3x16384x32xf32, #tpu.memory_space<hbm>> -> memref<1x512x32xf32, #tpu.memory_space<hbm>>
    %dma_start3A_222 = tpu.memref_squeeze %dma_start3A_221 : memref<1x512x32xf32, #tpu.memory_space<hbm>> -> memref<512x32xf32, #tpu.memory_space<hbm>>
    %dma_start3A_223 = arith.constant 0 : i32
    %dma_start3A_224 = arith.constant 0 : i32
    %dma_start3A_225 = tpu.memref_slice %arg8[%dma_start3A_211, %dma_start3A_223, %dma_start3A_224] : memref<3x512x32xf32, #tpu.memory_space<vmem>> -> memref<1x512x32xf32, #tpu.memory_space<vmem>>
    %dma_start3A_226 = tpu.memref_squeeze %dma_start3A_225 : memref<1x512x32xf32, #tpu.memory_space<vmem>> -> memref<512x32xf32, #tpu.memory_space<vmem>>
    tpu.enqueue_dma source(%dma_start3A_226 : memref<512x32xf32, #tpu.memory_space<vmem>>) target(%dma_start3A_222 : memref<512x32xf32, #tpu.memory_space<hbm>>) target_semaphore(%arg10 : memref<!tpu.dma_semaphore, #tpu.memory_space<semaphore_mem>>)
    %dma_wait3A_227 = arith.constant 1 : i32
    %dma_wait3A_228 = arith.constant 0 : i32
    %dma_wait3A_229 = arith.constant 1 : i32
    %dma_wait3A_230 = arith.constant 0 : i32
    %dma_wait3A_231 = arith.constant 0 : i32
    %dma_wait3A_232 = tpu.memref_slice %arg8[%dma_wait3A_229, %dma_wait3A_230, %dma_wait3A_231] : memref<3x512x32xf32, #tpu.memory_space<vmem>> -> memref<1x128x32xf32, #tpu.memory_space<vmem>>
    %dma_wait3A_233 = tpu.memref_squeeze %dma_wait3A_232 : memref<1x128x32xf32, #tpu.memory_space<vmem>> -> memref<128x32xf32, #tpu.memory_space<vmem>>
    %dma_wait3A_234 = arith.constant 0 : i32
    %dma_wait3A_235 = tpu.memref_slice %arg7[%dma_wait3A_227, %dma_wait3A_228, %dma_wait3A_234] : memref<3x4x128xi32, #tpu.memory_space<vmem>> -> memref<1x1x128xi32, #tpu.memory_space<vmem>>
    %dma_wait3A_236 = tpu.memref_squeeze %dma_wait3A_235 : memref<1x1x128xi32, #tpu.memory_space<vmem>> -> memref<128xi32, #tpu.memory_space<vmem>>
    %dma_wait3A_237 = arith.constant 0 : i32
    %dma_wait3A_238 = arith.constant 0 : i32
    %dma_wait3A_239 = tpu.memref_slice %arg4[%dma_wait3A_237, %dma_wait3A_238] : memref<1000000x32xf32, #tpu.memory_space<hbm>> -> memref<1000000x32xf32, #tpu.memory_space<hbm>>
    tpu.wait_indirect_dma semaphore(%arg9 : memref<!tpu.dma_semaphore, #tpu.memory_space<semaphore_mem>>) src(%dma_wait3A_239 : memref<1000000x32xf32, #tpu.memory_space<hbm>>) dst(%dma_wait3A_233 : memref<128x32xf32, #tpu.memory_space<vmem>>)
    %dma_wait3A_240 = arith.constant 1 : i32
    %dma_wait3A_241 = arith.constant 1 : i32
    %dma_wait3A_242 = arith.constant 1 : i32
    %dma_wait3A_243 = arith.constant 128 : i32
    %dma_wait3A_244 = arith.constant 0 : i32
    %dma_wait3A_245 = tpu.memref_slice %arg8[%dma_wait3A_242, %dma_wait3A_243, %dma_wait3A_244] : memref<3x512x32xf32, #tpu.memory_space<vmem>> -> memref<1x128x32xf32, #tpu.memory_space<vmem>>
    %dma_wait3A_246 = tpu.memref_squeeze %dma_wait3A_245 : memref<1x128x32xf32, #tpu.memory_space<vmem>> -> memref<128x32xf32, #tpu.memory_space<vmem>>
    %dma_wait3A_247 = arith.constant 0 : i32
    %dma_wait3A_248 = tpu.memref_slice %arg7[%dma_wait3A_240, %dma_wait3A_241, %dma_wait3A_247] : memref<3x4x128xi32, #tpu.memory_space<vmem>> -> memref<1x1x128xi32, #tpu.memory_space<vmem>>
    %dma_wait3A_249 = tpu.memref_squeeze %dma_wait3A_248 : memref<1x1x128xi32, #tpu.memory_space<vmem>> -> memref<128xi32, #tpu.memory_space<vmem>>
    %dma_wait3A_250 = arith.constant 0 : i32
    %dma_wait3A_251 = arith.constant 0 : i32
    %dma_wait3A_252 = tpu.memref_slice %arg4[%dma_wait3A_250, %dma_wait3A_251] : memref<1000000x32xf32, #tpu.memory_space<hbm>> -> memref<1000000x32xf32, #tpu.memory_space<hbm>>
    tpu.wait_indirect_dma semaphore(%arg9 : memref<!tpu.dma_semaphore, #tpu.memory_space<semaphore_mem>>) src(%dma_wait3A_252 : memref<1000000x32xf32, #tpu.memory_space<hbm>>) dst(%dma_wait3A_246 : memref<128x32xf32, #tpu.memory_space<vmem>>)
    %dma_wait3A_253 = arith.constant 1 : i32
    %dma_wait3A_254 = arith.constant 2 : i32
    %dma_wait3A_255 = arith.constant 1 : i32
    %dma_wait3A_256 = arith.constant 256 : i32
    %dma_wait3A_257 = arith.constant 0 : i32
    %dma_wait3A_258 = tpu.memref_slice %arg8[%dma_wait3A_255, %dma_wait3A_256, %dma_wait3A_257] : memref<3x512x32xf32, #tpu.memory_space<vmem>> -> memref<1x128x32xf32, #tpu.memory_space<vmem>>
    %dma_wait3A_259 = tpu.memref_squeeze %dma_wait3A_258 : memref<1x128x32xf32, #tpu.memory_space<vmem>> -> memref<128x32xf32, #tpu.memory_space<vmem>>
    %dma_wait3A_260 = arith.constant 0 : i32
    %dma_wait3A_261 = tpu.memref_slice %arg7[%dma_wait3A_253, %dma_wait3A_254, %dma_wait3A_260] : memref<3x4x128xi32, #tpu.memory_space<vmem>> -> memref<1x1x128xi32, #tpu.memory_space<vmem>>
    %dma_wait3A_262 = tpu.memref_squeeze %dma_wait3A_261 : memref<1x1x128xi32, #tpu.memory_space<vmem>> -> memref<128xi32, #tpu.memory_space<vmem>>
    %dma_wait3A_263 = arith.constant 0 : i32
    %dma_wait3A_264 = arith.constant 0 : i32
    %dma_wait3A_265 = tpu.memref_slice %arg4[%dma_wait3A_263, %dma_wait3A_264] : memref<1000000x32xf32, #tpu.memory_space<hbm>> -> memref<1000000x32xf32, #tpu.memory_space<hbm>>
    tpu.wait_indirect_dma semaphore(%arg9 : memref<!tpu.dma_semaphore, #tpu.memory_space<semaphore_mem>>) src(%dma_wait3A_265 : memref<1000000x32xf32, #tpu.memory_space<hbm>>) dst(%dma_wait3A_259 : memref<128x32xf32, #tpu.memory_space<vmem>>)
    %dma_wait3A_266 = arith.constant 1 : i32
    %dma_wait3A_267 = arith.constant 3 : i32
    %dma_wait3A_268 = arith.constant 1 : i32
    %dma_wait3A_269 = arith.constant 384 : i32
    %dma_wait3A_270 = arith.constant 0 : i32
    %dma_wait3A_271 = tpu.memref_slice %arg8[%dma_wait3A_268, %dma_wait3A_269, %dma_wait3A_270] : memref<3x512x32xf32, #tpu.memory_space<vmem>> -> memref<1x128x32xf32, #tpu.memory_space<vmem>>
    %dma_wait3A_272 = tpu.memref_squeeze %dma_wait3A_271 : memref<1x128x32xf32, #tpu.memory_space<vmem>> -> memref<128x32xf32, #tpu.memory_space<vmem>>
    %dma_wait3A_273 = arith.constant 0 : i32
    %dma_wait3A_274 = tpu.memref_slice %arg7[%dma_wait3A_266, %dma_wait3A_267, %dma_wait3A_273] : memref<3x4x128xi32, #tpu.memory_space<vmem>> -> memref<1x1x128xi32, #tpu.memory_space<vmem>>
    %dma_wait3A_275 = tpu.memref_squeeze %dma_wait3A_274 : memref<1x1x128xi32, #tpu.memory_space<vmem>> -> memref<128xi32, #tpu.memory_space<vmem>>
    %dma_wait3A_276 = arith.constant 0 : i32
    %dma_wait3A_277 = arith.constant 0 : i32
    %dma_wait3A_278 = tpu.memref_slice %arg4[%dma_wait3A_276, %dma_wait3A_277] : memref<1000000x32xf32, #tpu.memory_space<hbm>> -> memref<1000000x32xf32, #tpu.memory_space<hbm>>
    tpu.wait_indirect_dma semaphore(%arg9 : memref<!tpu.dma_semaphore, #tpu.memory_space<semaphore_mem>>) src(%dma_wait3A_278 : memref<1000000x32xf32, #tpu.memory_space<hbm>>) dst(%dma_wait3A_272 : memref<128x32xf32, #tpu.memory_space<vmem>>)
    %mul3A_279 = arith.constant 512 : i32
    %mul3A_280 = arith.muli %add3A, %mul3A_279 : i32
    %dma_start3A_281 = arith.constant 1 : i32
    %dma_start3A_282 = arith.constant 1 : i32
    %dma_start3A_283 = arith.constant 0 : i32
    %dma_start3A_284 = arith.constant 0 : i32
    %dma_start3A_285 = tpu.memref_slice %arg8[%dma_start3A_281, %dma_start3A_283, %dma_start3A_284] : memref<3x512x32xf32, #tpu.memory_space<vmem>> -> memref<1x512x32xf32, #tpu.memory_space<vmem>>
    %dma_start3A_286 = tpu.memref_squeeze %dma_start3A_285 : memref<1x512x32xf32, #tpu.memory_space<vmem>> -> memref<512x32xf32, #tpu.memory_space<vmem>>
    %dma_start3A_287 = arith.constant 0 : i32
    %dma_start3A_288 = tpu.memref_slice %arg6[%dma_start3A_282, %mul3A_280, %dma_start3A_287] : memref<3x16384x32xf32, #tpu.memory_space<hbm>> -> memref<1x512x32xf32, #tpu.memory_space<hbm>>
    %dma_start3A_289 = tpu.memref_squeeze %dma_start3A_288 : memref<1x512x32xf32, #tpu.memory_space<hbm>> -> memref<512x32xf32, #tpu.memory_space<hbm>>
    %dma_start3A_290 = arith.constant 0 : i32
    %dma_start3A_291 = tpu.memref_slice %arg6[%dma_start3A_282, %mul3A_280, %dma_start3A_290] : memref<3x16384x32xf32, #tpu.memory_space<hbm>> -> memref<1x512x32xf32, #tpu.memory_space<hbm>>
    %dma_start3A_292 = tpu.memref_squeeze %dma_start3A_291 : memref<1x512x32xf32, #tpu.memory_space<hbm>> -> memref<512x32xf32, #tpu.memory_space<hbm>>
    %dma_start3A_293 = arith.constant 0 : i32
    %dma_start3A_294 = arith.constant 0 : i32
    %dma_start3A_295 = tpu.memref_slice %arg8[%dma_start3A_281, %dma_start3A_293, %dma_start3A_294] : memref<3x512x32xf32, #tpu.memory_space<vmem>> -> memref<1x512x32xf32, #tpu.memory_space<vmem>>
    %dma_start3A_296 = tpu.memref_squeeze %dma_start3A_295 : memref<1x512x32xf32, #tpu.memory_space<vmem>> -> memref<512x32xf32, #tpu.memory_space<vmem>>
    tpu.enqueue_dma source(%dma_start3A_296 : memref<512x32xf32, #tpu.memory_space<vmem>>) target(%dma_start3A_292 : memref<512x32xf32, #tpu.memory_space<hbm>>) target_semaphore(%arg10 : memref<!tpu.dma_semaphore, #tpu.memory_space<semaphore_mem>>)
    %dma_wait3A_297 = arith.constant 2 : i32
    %dma_wait3A_298 = arith.constant 0 : i32
    %dma_wait3A_299 = arith.constant 2 : i32
    %dma_wait3A_300 = arith.constant 0 : i32
    %dma_wait3A_301 = arith.constant 0 : i32
    %dma_wait3A_302 = tpu.memref_slice %arg8[%dma_wait3A_299, %dma_wait3A_300, %dma_wait3A_301] : memref<3x512x32xf32, #tpu.memory_space<vmem>> -> memref<1x128x32xf32, #tpu.memory_space<vmem>>
    %dma_wait3A_303 = tpu.memref_squeeze %dma_wait3A_302 : memref<1x128x32xf32, #tpu.memory_space<vmem>> -> memref<128x32xf32, #tpu.memory_space<vmem>>
    %dma_wait3A_304 = arith.constant 0 : i32
    %dma_wait3A_305 = tpu.memref_slice %arg7[%dma_wait3A_297, %dma_wait3A_298, %dma_wait3A_304] : memref<3x4x128xi32, #tpu.memory_space<vmem>> -> memref<1x1x128xi32, #tpu.memory_space<vmem>>
    %dma_wait3A_306 = tpu.memref_squeeze %dma_wait3A_305 : memref<1x1x128xi32, #tpu.memory_space<vmem>> -> memref<128xi32, #tpu.memory_space<vmem>>
    %dma_wait3A_307 = arith.constant 0 : i32
    %dma_wait3A_308 = arith.constant 0 : i32
    %dma_wait3A_309 = tpu.memref_slice %arg5[%dma_wait3A_307, %dma_wait3A_308] : memref<1000000x32xf32, #tpu.memory_space<hbm>> -> memref<1000000x32xf32, #tpu.memory_space<hbm>>
    tpu.wait_indirect_dma semaphore(%arg9 : memref<!tpu.dma_semaphore, #tpu.memory_space<semaphore_mem>>) src(%dma_wait3A_309 : memref<1000000x32xf32, #tpu.memory_space<hbm>>) dst(%dma_wait3A_303 : memref<128x32xf32, #tpu.memory_space<vmem>>)
    %dma_wait3A_310 = arith.constant 2 : i32
    %dma_wait3A_311 = arith.constant 1 : i32
    %dma_wait3A_312 = arith.constant 2 : i32
    %dma_wait3A_313 = arith.constant 128 : i32
    %dma_wait3A_314 = arith.constant 0 : i32
    %dma_wait3A_315 = tpu.memref_slice %arg8[%dma_wait3A_312, %dma_wait3A_313, %dma_wait3A_314] : memref<3x512x32xf32, #tpu.memory_space<vmem>> -> memref<1x128x32xf32, #tpu.memory_space<vmem>>
    %dma_wait3A_316 = tpu.memref_squeeze %dma_wait3A_315 : memref<1x128x32xf32, #tpu.memory_space<vmem>> -> memref<128x32xf32, #tpu.memory_space<vmem>>
    %dma_wait3A_317 = arith.constant 0 : i32
    %dma_wait3A_318 = tpu.memref_slice %arg7[%dma_wait3A_310, %dma_wait3A_311, %dma_wait3A_317] : memref<3x4x128xi32, #tpu.memory_space<vmem>> -> memref<1x1x128xi32, #tpu.memory_space<vmem>>
    %dma_wait3A_319 = tpu.memref_squeeze %dma_wait3A_318 : memref<1x1x128xi32, #tpu.memory_space<vmem>> -> memref<128xi32, #tpu.memory_space<vmem>>
    %dma_wait3A_320 = arith.constant 0 : i32
    %dma_wait3A_321 = arith.constant 0 : i32
    %dma_wait3A_322 = tpu.memref_slice %arg5[%dma_wait3A_320, %dma_wait3A_321] : memref<1000000x32xf32, #tpu.memory_space<hbm>> -> memref<1000000x32xf32, #tpu.memory_space<hbm>>
    tpu.wait_indirect_dma semaphore(%arg9 : memref<!tpu.dma_semaphore, #tpu.memory_space<semaphore_mem>>) src(%dma_wait3A_322 : memref<1000000x32xf32, #tpu.memory_space<hbm>>) dst(%dma_wait3A_316 : memref<128x32xf32, #tpu.memory_space<vmem>>)
    %dma_wait3A_323 = arith.constant 2 : i32
    %dma_wait3A_324 = arith.constant 2 : i32
    %dma_wait3A_325 = arith.constant 2 : i32
    %dma_wait3A_326 = arith.constant 256 : i32
    %dma_wait3A_327 = arith.constant 0 : i32
    %dma_wait3A_328 = tpu.memref_slice %arg8[%dma_wait3A_325, %dma_wait3A_326, %dma_wait3A_327] : memref<3x512x32xf32, #tpu.memory_space<vmem>> -> memref<1x128x32xf32, #tpu.memory_space<vmem>>
    %dma_wait3A_329 = tpu.memref_squeeze %dma_wait3A_328 : memref<1x128x32xf32, #tpu.memory_space<vmem>> -> memref<128x32xf32, #tpu.memory_space<vmem>>
    %dma_wait3A_330 = arith.constant 0 : i32
    %dma_wait3A_331 = tpu.memref_slice %arg7[%dma_wait3A_323, %dma_wait3A_324, %dma_wait3A_330] : memref<3x4x128xi32, #tpu.memory_space<vmem>> -> memref<1x1x128xi32, #tpu.memory_space<vmem>>
    %dma_wait3A_332 = tpu.memref_squeeze %dma_wait3A_331 : memref<1x1x128xi32, #tpu.memory_space<vmem>> -> memref<128xi32, #tpu.memory_space<vmem>>
    %dma_wait3A_333 = arith.constant 0 : i32
    %dma_wait3A_334 = arith.constant 0 : i32
    %dma_wait3A_335 = tpu.memref_slice %arg5[%dma_wait3A_333, %dma_wait3A_334] : memref<1000000x32xf32, #tpu.memory_space<hbm>> -> memref<1000000x32xf32, #tpu.memory_space<hbm>>
    tpu.wait_indirect_dma semaphore(%arg9 : memref<!tpu.dma_semaphore, #tpu.memory_space<semaphore_mem>>) src(%dma_wait3A_335 : memref<1000000x32xf32, #tpu.memory_space<hbm>>) dst(%dma_wait3A_329 : memref<128x32xf32, #tpu.memory_space<vmem>>)
    %dma_wait3A_336 = arith.constant 2 : i32
    %dma_wait3A_337 = arith.constant 3 : i32
    %dma_wait3A_338 = arith.constant 2 : i32
    %dma_wait3A_339 = arith.constant 384 : i32
    %dma_wait3A_340 = arith.constant 0 : i32
    %dma_wait3A_341 = tpu.memref_slice %arg8[%dma_wait3A_338, %dma_wait3A_339, %dma_wait3A_340] : memref<3x512x32xf32, #tpu.memory_space<vmem>> -> memref<1x128x32xf32, #tpu.memory_space<vmem>>
    %dma_wait3A_342 = tpu.memref_squeeze %dma_wait3A_341 : memref<1x128x32xf32, #tpu.memory_space<vmem>> -> memref<128x32xf32, #tpu.memory_space<vmem>>
    %dma_wait3A_343 = arith.constant 0 : i32
    %dma_wait3A_344 = tpu.memref_slice %arg7[%dma_wait3A_336, %dma_wait3A_337, %dma_wait3A_343] : memref<3x4x128xi32, #tpu.memory_space<vmem>> -> memref<1x1x128xi32, #tpu.memory_space<vmem>>
    %dma_wait3A_345 = tpu.memref_squeeze %dma_wait3A_344 : memref<1x1x128xi32, #tpu.memory_space<vmem>> -> memref<128xi32, #tpu.memory_space<vmem>>
    %dma_wait3A_346 = arith.constant 0 : i32
    %dma_wait3A_347 = arith.constant 0 : i32
    %dma_wait3A_348 = tpu.memref_slice %arg5[%dma_wait3A_346, %dma_wait3A_347] : memref<1000000x32xf32, #tpu.memory_space<hbm>> -> memref<1000000x32xf32, #tpu.memory_space<hbm>>
    tpu.wait_indirect_dma semaphore(%arg9 : memref<!tpu.dma_semaphore, #tpu.memory_space<semaphore_mem>>) src(%dma_wait3A_348 : memref<1000000x32xf32, #tpu.memory_space<hbm>>) dst(%dma_wait3A_342 : memref<128x32xf32, #tpu.memory_space<vmem>>)
    %mul3A_349 = arith.constant 512 : i32
    %mul3A_350 = arith.muli %add3A, %mul3A_349 : i32
    %dma_start3A_351 = arith.constant 2 : i32
    %dma_start3A_352 = arith.constant 2 : i32
    %dma_start3A_353 = arith.constant 0 : i32
    %dma_start3A_354 = arith.constant 0 : i32
    %dma_start3A_355 = tpu.memref_slice %arg8[%dma_start3A_351, %dma_start3A_353, %dma_start3A_354] : memref<3x512x32xf32, #tpu.memory_space<vmem>> -> memref<1x512x32xf32, #tpu.memory_space<vmem>>
    %dma_start3A_356 = tpu.memref_squeeze %dma_start3A_355 : memref<1x512x32xf32, #tpu.memory_space<vmem>> -> memref<512x32xf32, #tpu.memory_space<vmem>>
    %dma_start3A_357 = arith.constant 0 : i32
    %dma_start3A_358 = tpu.memref_slice %arg6[%dma_start3A_352, %mul3A_350, %dma_start3A_357] : memref<3x16384x32xf32, #tpu.memory_space<hbm>> -> memref<1x512x32xf32, #tpu.memory_space<hbm>>
    %dma_start3A_359 = tpu.memref_squeeze %dma_start3A_358 : memref<1x512x32xf32, #tpu.memory_space<hbm>> -> memref<512x32xf32, #tpu.memory_space<hbm>>
    %dma_start3A_360 = arith.constant 0 : i32
    %dma_start3A_361 = tpu.memref_slice %arg6[%dma_start3A_352, %mul3A_350, %dma_start3A_360] : memref<3x16384x32xf32, #tpu.memory_space<hbm>> -> memref<1x512x32xf32, #tpu.memory_space<hbm>>
    %dma_start3A_362 = tpu.memref_squeeze %dma_start3A_361 : memref<1x512x32xf32, #tpu.memory_space<hbm>> -> memref<512x32xf32, #tpu.memory_space<hbm>>
    %dma_start3A_363 = arith.constant 0 : i32
    %dma_start3A_364 = arith.constant 0 : i32
    %dma_start3A_365 = tpu.memref_slice %arg8[%dma_start3A_351, %dma_start3A_363, %dma_start3A_364] : memref<3x512x32xf32, #tpu.memory_space<vmem>> -> memref<1x512x32xf32, #tpu.memory_space<vmem>>
    %dma_start3A_366 = tpu.memref_squeeze %dma_start3A_365 : memref<1x512x32xf32, #tpu.memory_space<vmem>> -> memref<512x32xf32, #tpu.memory_space<vmem>>
    tpu.enqueue_dma source(%dma_start3A_366 : memref<512x32xf32, #tpu.memory_space<vmem>>) target(%dma_start3A_362 : memref<512x32xf32, #tpu.memory_space<hbm>>) target_semaphore(%arg10 : memref<!tpu.dma_semaphore, #tpu.memory_space<semaphore_mem>>)
    %dma_wait3A_367 = arith.constant 0 : i32
    %dma_wait3A_368 = arith.constant 0 : i32
    %dma_wait3A_369 = arith.constant 0 : i32
    %dma_wait3A_370 = arith.constant 0 : i32
    %dma_wait3A_371 = tpu.memref_slice %arg8[%dma_wait3A_367, %dma_wait3A_369, %dma_wait3A_370] : memref<3x512x32xf32, #tpu.memory_space<vmem>> -> memref<1x512x32xf32, #tpu.memory_space<vmem>>
    %dma_wait3A_372 = tpu.memref_squeeze %dma_wait3A_371 : memref<1x512x32xf32, #tpu.memory_space<vmem>> -> memref<512x32xf32, #tpu.memory_space<vmem>>
    %dma_wait3A_373 = arith.constant 0 : i32
    %dma_wait3A_374 = tpu.memref_slice %arg6[%dma_wait3A_368, %mul3A_210, %dma_wait3A_373] : memref<3x16384x32xf32, #tpu.memory_space<hbm>> -> memref<1x512x32xf32, #tpu.memory_space<hbm>>
    %dma_wait3A_375 = tpu.memref_squeeze %dma_wait3A_374 : memref<1x512x32xf32, #tpu.memory_space<hbm>> -> memref<512x32xf32, #tpu.memory_space<hbm>>
    %dma_wait3A_376 = arith.constant 0 : i32
    %dma_wait3A_377 = tpu.memref_slice %arg6[%dma_wait3A_368, %mul3A_210, %dma_wait3A_376] : memref<3x16384x32xf32, #tpu.memory_space<hbm>> -> memref<1x512x32xf32, #tpu.memory_space<hbm>>
    %dma_wait3A_378 = tpu.memref_squeeze %dma_wait3A_377 : memref<1x512x32xf32, #tpu.memory_space<hbm>> -> memref<512x32xf32, #tpu.memory_space<hbm>>
    %dma_wait3A_379 = arith.constant 0 : i32
    %dma_wait3A_380 = arith.constant 0 : i32
    %dma_wait3A_381 = tpu.memref_slice %arg8[%dma_wait3A_367, %dma_wait3A_379, %dma_wait3A_380] : memref<3x512x32xf32, #tpu.memory_space<vmem>> -> memref<1x512x32xf32, #tpu.memory_space<vmem>>
    %dma_wait3A_382 = tpu.memref_squeeze %dma_wait3A_381 : memref<1x512x32xf32, #tpu.memory_space<vmem>> -> memref<512x32xf32, #tpu.memory_space<vmem>>
    tpu.wait_dma2 semaphore(%arg10 : memref<!tpu.dma_semaphore, #tpu.memory_space<semaphore_mem>>) src(%dma_wait3A_382 : memref<512x32xf32, #tpu.memory_space<vmem>>) dst(%dma_wait3A_378 : memref<512x32xf32, #tpu.memory_space<hbm>>)
    %dma_wait3A_383 = arith.constant 1 : i32
    %dma_wait3A_384 = arith.constant 1 : i32
    %dma_wait3A_385 = arith.constant 0 : i32
    %dma_wait3A_386 = arith.constant 0 : i32
    %dma_wait3A_387 = tpu.memref_slice %arg8[%dma_wait3A_383, %dma_wait3A_385, %dma_wait3A_386] : memref<3x512x32xf32, #tpu.memory_space<vmem>> -> memref<1x512x32xf32, #tpu.memory_space<vmem>>
    %dma_wait3A_388 = tpu.memref_squeeze %dma_wait3A_387 : memref<1x512x32xf32, #tpu.memory_space<vmem>> -> memref<512x32xf32, #tpu.memory_space<vmem>>
    %dma_wait3A_389 = arith.constant 0 : i32
    %dma_wait3A_390 = tpu.memref_slice %arg6[%dma_wait3A_384, %mul3A_280, %dma_wait3A_389] : memref<3x16384x32xf32, #tpu.memory_space<hbm>> -> memref<1x512x32xf32, #tpu.memory_space<hbm>>
    %dma_wait3A_391 = tpu.memref_squeeze %dma_wait3A_390 : memref<1x512x32xf32, #tpu.memory_space<hbm>> -> memref<512x32xf32, #tpu.memory_space<hbm>>
    %dma_wait3A_392 = arith.constant 0 : i32
    %dma_wait3A_393 = tpu.memref_slice %arg6[%dma_wait3A_384, %mul3A_280, %dma_wait3A_392] : memref<3x16384x32xf32, #tpu.memory_space<hbm>> -> memref<1x512x32xf32, #tpu.memory_space<hbm>>
    %dma_wait3A_394 = tpu.memref_squeeze %dma_wait3A_393 : memref<1x512x32xf32, #tpu.memory_space<hbm>> -> memref<512x32xf32, #tpu.memory_space<hbm>>
    %dma_wait3A_395 = arith.constant 0 : i32
    %dma_wait3A_396 = arith.constant 0 : i32
    %dma_wait3A_397 = tpu.memref_slice %arg8[%dma_wait3A_383, %dma_wait3A_395, %dma_wait3A_396] : memref<3x512x32xf32, #tpu.memory_space<vmem>> -> memref<1x512x32xf32, #tpu.memory_space<vmem>>
    %dma_wait3A_398 = tpu.memref_squeeze %dma_wait3A_397 : memref<1x512x32xf32, #tpu.memory_space<vmem>> -> memref<512x32xf32, #tpu.memory_space<vmem>>
    tpu.wait_dma2 semaphore(%arg10 : memref<!tpu.dma_semaphore, #tpu.memory_space<semaphore_mem>>) src(%dma_wait3A_398 : memref<512x32xf32, #tpu.memory_space<vmem>>) dst(%dma_wait3A_394 : memref<512x32xf32, #tpu.memory_space<hbm>>)
    %dma_wait3A_399 = arith.constant 2 : i32
    %dma_wait3A_400 = arith.constant 2 : i32
    %dma_wait3A_401 = arith.constant 0 : i32
    %dma_wait3A_402 = arith.constant 0 : i32
    %dma_wait3A_403 = tpu.memref_slice %arg8[%dma_wait3A_399, %dma_wait3A_401, %dma_wait3A_402] : memref<3x512x32xf32, #tpu.memory_space<vmem>> -> memref<1x512x32xf32, #tpu.memory_space<vmem>>
    %dma_wait3A_404 = tpu.memref_squeeze %dma_wait3A_403 : memref<1x512x32xf32, #tpu.memory_space<vmem>> -> memref<512x32xf32, #tpu.memory_space<vmem>>
    %dma_wait3A_405 = arith.constant 0 : i32
    %dma_wait3A_406 = tpu.memref_slice %arg6[%dma_wait3A_400, %mul3A_350, %dma_wait3A_405] : memref<3x16384x32xf32, #tpu.memory_space<hbm>> -> memref<1x512x32xf32, #tpu.memory_space<hbm>>
    %dma_wait3A_407 = tpu.memref_squeeze %dma_wait3A_406 : memref<1x512x32xf32, #tpu.memory_space<hbm>> -> memref<512x32xf32, #tpu.memory_space<hbm>>
    %dma_wait3A_408 = arith.constant 0 : i32
    %dma_wait3A_409 = tpu.memref_slice %arg6[%dma_wait3A_400, %mul3A_350, %dma_wait3A_408] : memref<3x16384x32xf32, #tpu.memory_space<hbm>> -> memref<1x512x32xf32, #tpu.memory_space<hbm>>
    %dma_wait3A_410 = tpu.memref_squeeze %dma_wait3A_409 : memref<1x512x32xf32, #tpu.memory_space<hbm>> -> memref<512x32xf32, #tpu.memory_space<hbm>>
    %dma_wait3A_411 = arith.constant 0 : i32
    %dma_wait3A_412 = arith.constant 0 : i32
    %dma_wait3A_413 = tpu.memref_slice %arg8[%dma_wait3A_399, %dma_wait3A_411, %dma_wait3A_412] : memref<3x512x32xf32, #tpu.memory_space<vmem>> -> memref<1x512x32xf32, #tpu.memory_space<vmem>>
    %dma_wait3A_414 = tpu.memref_squeeze %dma_wait3A_413 : memref<1x512x32xf32, #tpu.memory_space<vmem>> -> memref<512x32xf32, #tpu.memory_space<vmem>>
    tpu.wait_dma2 semaphore(%arg10 : memref<!tpu.dma_semaphore, #tpu.memory_space<semaphore_mem>>) src(%dma_wait3A_414 : memref<512x32xf32, #tpu.memory_space<vmem>>) dst(%dma_wait3A_410 : memref<512x32xf32, #tpu.memory_space<hbm>>)
    return
  }
}

module attributes {stable_mosaic.version = 14 : i64} {
  func.func @_mlp_body(%arg0: i32, %arg1: memref<1024x16xf32, #tpu.memory_space<vmem>>, %arg2: memref<1024x32xf32, #tpu.memory_space<vmem>>, %arg3: memref<1024x32xf32, #tpu.memory_space<vmem>>, %arg4: memref<1024x32xf32, #tpu.memory_space<vmem>>, %arg5: memref<16x8xf32, #tpu.memory_space<vmem>>, %arg6: memref<1x8xf32, #tpu.memory_space<vmem>>, %arg7: memref<8x8xf32, #tpu.memory_space<vmem>>, %arg8: memref<1x8xf32, #tpu.memory_space<vmem>>, %arg9: memref<8x32xf32, #tpu.memory_space<vmem>>, %arg10: memref<32x32xf32, #tpu.memory_space<vmem>>, %arg11: memref<32x32xf32, #tpu.memory_space<vmem>>, %arg12: memref<32x32xf32, #tpu.memory_space<vmem>>, %arg13: memref<1x32xf32, #tpu.memory_space<vmem>>, %arg14: memref<32x16xf32, #tpu.memory_space<vmem>>, %arg15: memref<1x16xf32, #tpu.memory_space<vmem>>, %arg16: memref<16x1xf32, #tpu.memory_space<vmem>>, %arg17: memref<1x1xf32, #tpu.memory_space<vmem>>, %arg18: memref<1024x1xf32, #tpu.memory_space<vmem>>) attributes {dimension_semantics = [#tpu.dimension_semantics<arbitrary>], iteration_bounds = array<i64: 16>, scalar_prefetch = 0 : i64, scratch_operands = 0 : i64, tpu.core_type = #tpu.core_type<tc>, window_params = [{transform_indices = @transform_0, window_bounds = array<i64: 1024, 16>}, {transform_indices = @transform_1, window_bounds = array<i64: 1024, 32>}, {transform_indices = @transform_2, window_bounds = array<i64: 1024, 32>}, {transform_indices = @transform_3, window_bounds = array<i64: 1024, 32>}, {pipeline_mode = #tpu.pipeline_mode<synchronous>, transform_indices = @transform_4, window_bounds = array<i64: 16, 8>}, {pipeline_mode = #tpu.pipeline_mode<synchronous>, transform_indices = @transform_5, window_bounds = array<i64: 1, 8>}, {pipeline_mode = #tpu.pipeline_mode<synchronous>, transform_indices = @transform_6, window_bounds = array<i64: 8, 8>}, {pipeline_mode = #tpu.pipeline_mode<synchronous>, transform_indices = @transform_7, window_bounds = array<i64: 1, 8>}, {pipeline_mode = #tpu.pipeline_mode<synchronous>, transform_indices = @transform_8, window_bounds = array<i64: 8, 32>}, {pipeline_mode = #tpu.pipeline_mode<synchronous>, transform_indices = @transform_9, window_bounds = array<i64: 32, 32>}, {pipeline_mode = #tpu.pipeline_mode<synchronous>, transform_indices = @transform_10, window_bounds = array<i64: 32, 32>}, {pipeline_mode = #tpu.pipeline_mode<synchronous>, transform_indices = @transform_11, window_bounds = array<i64: 32, 32>}, {pipeline_mode = #tpu.pipeline_mode<synchronous>, transform_indices = @transform_12, window_bounds = array<i64: 1, 32>}, {pipeline_mode = #tpu.pipeline_mode<synchronous>, transform_indices = @transform_13, window_bounds = array<i64: 32, 16>}, {pipeline_mode = #tpu.pipeline_mode<synchronous>, transform_indices = @transform_14, window_bounds = array<i64: 1, 16>}, {pipeline_mode = #tpu.pipeline_mode<synchronous>, transform_indices = @transform_15, window_bounds = array<i64: 16, 1>}, {pipeline_mode = #tpu.pipeline_mode<synchronous>, transform_indices = @transform_16, window_bounds = array<i64: 1, 1>}, {transform_indices = @transform_17, window_bounds = array<i64: 1024, 1>}]} {
    %get3A = arith.constant 0 : index
    %get3A_0 = arith.constant 0 : index
    %get3A_1 = vector.load %arg1[%get3A, %get3A_0] : memref<1024x16xf32, #tpu.memory_space<vmem>>, vector<1024x16xf32>
    %get3A_2 = arith.constant 0 : index
    %get3A_3 = arith.constant 0 : index
    %get3A_4 = vector.load %arg5[%get3A_2, %get3A_3] : memref<16x8xf32, #tpu.memory_space<vmem>>, vector<16x8xf32>
    %dot_general3A = arith.constant dense<0.000000e+00> : vector<1024x8xf32>
    %dot_general3A_5 = tpu.matmul %get3A_1, %get3A_4, %dot_general3A {dimension_numbers = #tpu.dot_dimension_numbers<[1], [0], [0], [1], [0, 0, 1, 1], [], []>, transpose_lhs_hint = false} : vector<1024x16xf32>, vector<16x8xf32>, vector<1024x8xf32> -> vector<1024x8xf32>
    %get3A_6 = arith.constant 0 : index
    %get3A_7 = arith.constant 0 : index
    %get3A_8 = vector.load %arg6[%get3A_6, %get3A_7] : memref<1x8xf32, #tpu.memory_space<vmem>>, vector<1x8xf32>
    %add3A = vector.broadcast %get3A_8 : vector<1x8xf32> to vector<1024x8xf32>
    %add3A_9 = arith.addf %dot_general3A_5, %add3A : vector<1024x8xf32>
    %max3A = arith.constant 0.000000e+00 : f32
    %max3A_10 = vector.broadcast %max3A : f32 to vector<1024x8xf32>
    %max3A_11 = arith.maximumf %add3A_9, %max3A_10 : vector<1024x8xf32>
    %get3A_12 = arith.constant 0 : index
    %get3A_13 = arith.constant 0 : index
    %get3A_14 = vector.load %arg7[%get3A_12, %get3A_13] : memref<8x8xf32, #tpu.memory_space<vmem>>, vector<8x8xf32>
    %dot_general3A_15 = arith.constant dense<0.000000e+00> : vector<1024x8xf32>
    %dot_general3A_16 = tpu.matmul %max3A_11, %get3A_14, %dot_general3A_15 {dimension_numbers = #tpu.dot_dimension_numbers<[1], [0], [0], [1], [0, 0, 1, 1], [], []>, transpose_lhs_hint = false} : vector<1024x8xf32>, vector<8x8xf32>, vector<1024x8xf32> -> vector<1024x8xf32>
    %get3A_17 = arith.constant 0 : index
    %get3A_18 = arith.constant 0 : index
    %get3A_19 = vector.load %arg8[%get3A_17, %get3A_18] : memref<1x8xf32, #tpu.memory_space<vmem>>, vector<1x8xf32>
    %add3A_20 = vector.broadcast %get3A_19 : vector<1x8xf32> to vector<1024x8xf32>
    %add3A_21 = arith.addf %dot_general3A_16, %add3A_20 : vector<1024x8xf32>
    %max3A_22 = arith.constant 0.000000e+00 : f32
    %max3A_23 = vector.broadcast %max3A_22 : f32 to vector<1024x8xf32>
    %max3A_24 = arith.maximumf %add3A_21, %max3A_23 : vector<1024x8xf32>
    %get3A_25 = arith.constant 0 : index
    %get3A_26 = arith.constant 0 : index
    %get3A_27 = vector.load %arg9[%get3A_25, %get3A_26] : memref<8x32xf32, #tpu.memory_space<vmem>>, vector<8x32xf32>
    %dot_general3A_28 = arith.constant dense<0.000000e+00> : vector<1024x32xf32>
    %dot_general3A_29 = tpu.matmul %max3A_24, %get3A_27, %dot_general3A_28 {dimension_numbers = #tpu.dot_dimension_numbers<[1], [0], [0], [1], [0, 0, 1, 1], [], []>, transpose_lhs_hint = false} : vector<1024x8xf32>, vector<8x32xf32>, vector<1024x32xf32> -> vector<1024x32xf32>
    %get3A_30 = arith.constant 0 : index
    %get3A_31 = arith.constant 0 : index
    %get3A_32 = vector.load %arg2[%get3A_30, %get3A_31] : memref<1024x32xf32, #tpu.memory_space<vmem>>, vector<1024x32xf32>
    %get3A_33 = arith.constant 0 : index
    %get3A_34 = arith.constant 0 : index
    %get3A_35 = vector.load %arg10[%get3A_33, %get3A_34] : memref<32x32xf32, #tpu.memory_space<vmem>>, vector<32x32xf32>
    %dot_general3A_36 = arith.constant dense<0.000000e+00> : vector<1024x32xf32>
    %dot_general3A_37 = tpu.matmul %get3A_32, %get3A_35, %dot_general3A_36 {dimension_numbers = #tpu.dot_dimension_numbers<[1], [0], [0], [1], [0, 0, 1, 1], [], []>, transpose_lhs_hint = false} : vector<1024x32xf32>, vector<32x32xf32>, vector<1024x32xf32> -> vector<1024x32xf32>
    %add3A_38 = arith.addf %dot_general3A_29, %dot_general3A_37 : vector<1024x32xf32>
    %get3A_39 = arith.constant 0 : index
    %get3A_40 = arith.constant 0 : index
    %get3A_41 = vector.load %arg3[%get3A_39, %get3A_40] : memref<1024x32xf32, #tpu.memory_space<vmem>>, vector<1024x32xf32>
    %get3A_42 = arith.constant 0 : index
    %get3A_43 = arith.constant 0 : index
    %get3A_44 = vector.load %arg11[%get3A_42, %get3A_43] : memref<32x32xf32, #tpu.memory_space<vmem>>, vector<32x32xf32>
    %dot_general3A_45 = arith.constant dense<0.000000e+00> : vector<1024x32xf32>
    %dot_general3A_46 = tpu.matmul %get3A_41, %get3A_44, %dot_general3A_45 {dimension_numbers = #tpu.dot_dimension_numbers<[1], [0], [0], [1], [0, 0, 1, 1], [], []>, transpose_lhs_hint = false} : vector<1024x32xf32>, vector<32x32xf32>, vector<1024x32xf32> -> vector<1024x32xf32>
    %add3A_47 = arith.addf %add3A_38, %dot_general3A_46 : vector<1024x32xf32>
    %get3A_48 = arith.constant 0 : index
    %get3A_49 = arith.constant 0 : index
    %get3A_50 = vector.load %arg4[%get3A_48, %get3A_49] : memref<1024x32xf32, #tpu.memory_space<vmem>>, vector<1024x32xf32>
    %get3A_51 = arith.constant 0 : index
    %get3A_52 = arith.constant 0 : index
    %get3A_53 = vector.load %arg12[%get3A_51, %get3A_52] : memref<32x32xf32, #tpu.memory_space<vmem>>, vector<32x32xf32>
    %dot_general3A_54 = arith.constant dense<0.000000e+00> : vector<1024x32xf32>
    %dot_general3A_55 = tpu.matmul %get3A_50, %get3A_53, %dot_general3A_54 {dimension_numbers = #tpu.dot_dimension_numbers<[1], [0], [0], [1], [0, 0, 1, 1], [], []>, transpose_lhs_hint = false} : vector<1024x32xf32>, vector<32x32xf32>, vector<1024x32xf32> -> vector<1024x32xf32>
    %add3A_56 = arith.addf %add3A_47, %dot_general3A_55 : vector<1024x32xf32>
    %get3A_57 = arith.constant 0 : index
    %get3A_58 = arith.constant 0 : index
    %get3A_59 = vector.load %arg13[%get3A_57, %get3A_58] : memref<1x32xf32, #tpu.memory_space<vmem>>, vector<1x32xf32>
    %add3A_60 = vector.broadcast %get3A_59 : vector<1x32xf32> to vector<1024x32xf32>
    %add3A_61 = arith.addf %add3A_56, %add3A_60 : vector<1024x32xf32>
    %max3A_62 = arith.constant 0.000000e+00 : f32
    %max3A_63 = vector.broadcast %max3A_62 : f32 to vector<1024x32xf32>
    %max3A_64 = arith.maximumf %add3A_61, %max3A_63 : vector<1024x32xf32>
    %get3A_65 = arith.constant 0 : index
    %get3A_66 = arith.constant 0 : index
    %get3A_67 = vector.load %arg14[%get3A_65, %get3A_66] : memref<32x16xf32, #tpu.memory_space<vmem>>, vector<32x16xf32>
    %dot_general3A_68 = arith.constant dense<0.000000e+00> : vector<1024x16xf32>
    %dot_general3A_69 = tpu.matmul %max3A_64, %get3A_67, %dot_general3A_68 {dimension_numbers = #tpu.dot_dimension_numbers<[1], [0], [0], [1], [0, 0, 1, 1], [], []>, transpose_lhs_hint = false} : vector<1024x32xf32>, vector<32x16xf32>, vector<1024x16xf32> -> vector<1024x16xf32>
    %get3A_70 = arith.constant 0 : index
    %get3A_71 = arith.constant 0 : index
    %get3A_72 = vector.load %arg15[%get3A_70, %get3A_71] : memref<1x16xf32, #tpu.memory_space<vmem>>, vector<1x16xf32>
    %add3A_73 = vector.broadcast %get3A_72 : vector<1x16xf32> to vector<1024x16xf32>
    %add3A_74 = arith.addf %dot_general3A_69, %add3A_73 : vector<1024x16xf32>
    %max3A_75 = arith.constant 0.000000e+00 : f32
    %max3A_76 = vector.broadcast %max3A_75 : f32 to vector<1024x16xf32>
    %max3A_77 = arith.maximumf %add3A_74, %max3A_76 : vector<1024x16xf32>
    %get3A_78 = arith.constant 0 : index
    %get3A_79 = arith.constant 0 : index
    %get3A_80 = vector.load %arg16[%get3A_78, %get3A_79] : memref<16x1xf32, #tpu.memory_space<vmem>>, vector<16x1xf32>
    %dot_general3A_81 = arith.constant dense<0.000000e+00> : vector<1024x1xf32>
    %dot_general3A_82 = tpu.matmul %max3A_77, %get3A_80, %dot_general3A_81 {dimension_numbers = #tpu.dot_dimension_numbers<[1], [0], [0], [1], [0, 0, 1, 1], [], []>, transpose_lhs_hint = false} : vector<1024x16xf32>, vector<16x1xf32>, vector<1024x1xf32> -> vector<1024x1xf32>
    %get3A_83 = arith.constant 0 : index
    %get3A_84 = arith.constant 0 : index
    %get3A_85 = vector.load %arg17[%get3A_83, %get3A_84] : memref<1x1xf32, #tpu.memory_space<vmem>>, vector<1x1xf32>
    %add3A_86 = vector.broadcast %get3A_85 : vector<1x1xf32> to vector<1024x1xf32>
    %add3A_87 = arith.addf %dot_general3A_82, %add3A_86 : vector<1024x1xf32>
    %logistic3A = arith.negf %add3A_87 : vector<1024x1xf32>
    %logistic3A_88 = math.exp %logistic3A : vector<1024x1xf32>
    %logistic3A_89 = arith.constant 1.000000e+00 : f32
    %logistic3A_90 = vector.broadcast %logistic3A_89 : f32 to vector<1024x1xf32>
    %logistic3A_91 = arith.addf %logistic3A_90, %logistic3A_88 : vector<1024x1xf32>
    %logistic3A_92 = arith.divf %logistic3A_90, %logistic3A_91 : vector<1024x1xf32>
    %swap3A = arith.constant 0 : index
    %swap3A_93 = arith.constant 0 : index
    %swap3A_94 = vector.load %arg18[%swap3A, %swap3A_93] : memref<1024x1xf32, #tpu.memory_space<vmem>>, vector<1024x1xf32>
    tpu.vector_store %arg18[%swap3A, %swap3A_93], %logistic3A_92 {strides = array<i32>} : memref<1024x1xf32, #tpu.memory_space<vmem>>, vector<1024x1xf32>,
    return
  }
  func.func @transform_0(%arg0: i32) -> (i32, i32) {
    %c0_i32 = arith.constant 0 : i32
    %c0_i32_0 = arith.constant 0 : i32
    return %arg0, %c0_i32 : i32, i32
  }
  func.func @transform_1(%arg0: i32) -> (i32, i32) {
    %c0_i32 = arith.constant 0 : i32
    %c0_i32_0 = arith.constant 0 : i32
    return %arg0, %c0_i32 : i32, i32
  }
  func.func @transform_2(%arg0: i32) -> (i32, i32) {
    %c0_i32 = arith.constant 0 : i32
    %c0_i32_0 = arith.constant 0 : i32
    return %arg0, %c0_i32 : i32, i32
  }
  func.func @transform_3(%arg0: i32) -> (i32, i32) {
    %c0_i32 = arith.constant 0 : i32
    %c0_i32_0 = arith.constant 0 : i32
    return %arg0, %c0_i32 : i32, i32
  }
  func.func @transform_4(%arg0: i32) -> (i32, i32) {
    %c0_i32 = arith.constant 0 : i32
    %c0_i32_0 = arith.constant 0 : i32
    %c0_i32_1 = arith.constant 0 : i32
    return %c0_i32, %c0_i32_0 : i32, i32
  }
  func.func @transform_5(%arg0: i32) -> (i32, i32) {
    %c0_i32 = arith.constant 0 : i32
    %c0_i32_0 = arith.constant 0 : i32
    %c0_i32_1 = arith.constant 0 : i32
    return %c0_i32, %c0_i32_0 : i32, i32
  }
  func.func @transform_6(%arg0: i32) -> (i32, i32) {
    %c0_i32 = arith.constant 0 : i32
    %c0_i32_0 = arith.constant 0 : i32
    %c0_i32_1 = arith.constant 0 : i32
    return %c0_i32, %c0_i32_0 : i32, i32
  }
  func.func @transform_7(%arg0: i32) -> (i32, i32) {
    %c0_i32 = arith.constant 0 : i32
    %c0_i32_0 = arith.constant 0 : i32
    %c0_i32_1 = arith.constant 0 : i32
    return %c0_i32, %c0_i32_0 : i32, i32
  }
  func.func @transform_8(%arg0: i32) -> (i32, i32) {
    %c0_i32 = arith.constant 0 : i32
    %c0_i32_0 = arith.constant 0 : i32
    %c0_i32_1 = arith.constant 0 : i32
    return %c0_i32, %c0_i32_0 : i32, i32
  }
  func.func @transform_9(%arg0: i32) -> (i32, i32) {
    %c0_i32 = arith.constant 0 : i32
    %c0_i32_0 = arith.constant 0 : i32
    %c0_i32_1 = arith.constant 0 : i32
    return %c0_i32, %c0_i32_0 : i32, i32
  }
  func.func @transform_10(%arg0: i32) -> (i32, i32) {
    %c0_i32 = arith.constant 0 : i32
    %c0_i32_0 = arith.constant 0 : i32
    %c0_i32_1 = arith.constant 0 : i32
    return %c0_i32, %c0_i32_0 : i32, i32
  }
  func.func @transform_11(%arg0: i32) -> (i32, i32) {
    %c0_i32 = arith.constant 0 : i32
    %c0_i32_0 = arith.constant 0 : i32
    %c0_i32_1 = arith.constant 0 : i32
    return %c0_i32, %c0_i32_0 : i32, i32
  }
  func.func @transform_12(%arg0: i32) -> (i32, i32) {
    %c0_i32 = arith.constant 0 : i32
    %c0_i32_0 = arith.constant 0 : i32
    %c0_i32_1 = arith.constant 0 : i32
    return %c0_i32, %c0_i32_0 : i32, i32
  }
  func.func @transform_13(%arg0: i32) -> (i32, i32) {
    %c0_i32 = arith.constant 0 : i32
    %c0_i32_0 = arith.constant 0 : i32
    %c0_i32_1 = arith.constant 0 : i32
    return %c0_i32, %c0_i32_0 : i32, i32
  }
  func.func @transform_14(%arg0: i32) -> (i32, i32) {
    %c0_i32 = arith.constant 0 : i32
    %c0_i32_0 = arith.constant 0 : i32
    %c0_i32_1 = arith.constant 0 : i32
    return %c0_i32, %c0_i32_0 : i32, i32
  }
  func.func @transform_15(%arg0: i32) -> (i32, i32) {
    %c0_i32 = arith.constant 0 : i32
    %c0_i32_0 = arith.constant 0 : i32
    %c0_i32_1 = arith.constant 0 : i32
    return %c0_i32, %c0_i32_0 : i32, i32
  }
  func.func @transform_16(%arg0: i32) -> (i32, i32) {
    %c0_i32 = arith.constant 0 : i32
    %c0_i32_0 = arith.constant 0 : i32
    %c0_i32_1 = arith.constant 0 : i32
    return %c0_i32, %c0_i32_0 : i32, i32
  }
  func.func @transform_17(%arg0: i32) -> (i32, i32) {
    %c0_i32 = arith.constant 0 : i32
    %c0_i32_0 = arith.constant 0 : i32
    return %arg0, %c0_i32 : i32, i32
  }
}

</mosaic_0001>

<sc_bundles>
// kernel: kernel.4.cloned.1.call-start
scs
__scs_entry_jumppad:
0x0: {  	(pc) =	sbr.rel $0x88, $3  }
0x1: {  	(tag) =	ssettag $0x0;
	lr =	simm.s32 $0x1  }
0x2: {  	[smem:$0x3F92] =	sst lr;
	_ =	strace $0xD0000000  }
0x3: {  	_ = 	snop  }
0x4: {  	_ = 	snop  }
0x5: {  	_ = 	snop  }
0x6: {  	_ = 	snop  }
0x7: {  	_ = 	snop  }
__scs_overlays_trampoline_lowered:
0x8: {  	[smem:$0x3FA1] =	sst s0  }
0x9: {  	[smem:$0x3FA2] =	sst s1  }
0xa: {  	[smem:$0x3FA3] =	sst s2  }
0xb: {  	[smem:$0x3FA4] =	sst s3  }
0xc: {  	[smem:$0x3FA5] =	sst s4  }
0xd: {  	[smem:$0x3FA6] =	sst s5  }
0xe: {  	[smem:$0x3FA7] =	sst s6  }
0xf: {  	[smem:$0x3FA8] =	sst s7  }
0x10: {  	[smem:$0x3FA9] =	sst s8  }
0x11: {  	[smem:$0x3FAA] =	sst s9;
	s0 =	simm.s32 @!p0 $0x0  }
0x12: {  	s1 =	sld [smem:$0x3F90];
	s0 =	simm.s32 @p0 $0x1  }
0x13: {  	[smem:$0x3FAB] =	sst s0;
	s0 =	simm.s32 @!p1 $0x0  }
0x14: {  	s2 =	sld [smem:$0x3F8F];
	s0 =	simm.s32 @p1 $0x1  }
0x15: {  	[smem:$0x3FAC] =	sst s0;
	s0 =	simm.s32 @!p2 $0x0  }
0x16: {  	s3 =	sld [smem:$0x3FDB];
	s0 =	simm.s32 @p2 $0x1  }
0x17: {  	s4 =	simm.s32 $0x1BF5;
	[smem:$0x3FAE] =	sst s0  }
0x18: {  	s0 =	sld [smem:$0x3F91];
	_ =	swait.ge [sflag:s4], $0x0  }
0x19: {  	s7 =	sld [smem:$0x3F92]  }
0x1a: {  	s8 =	sadd.s32 $0xFFFFE003, lr  }
0x1b: {  	s9 =	sadd.s32 $0xFFFFFEF7, lr;
	s5 =	simm.s32 $0xFFFFFFFF;
	p2 =	slt.u32 s8, $0xFFFFF086  }
0x1c: {  	p1 =	slt.u32 s9, $0xF7A;
	s5 =	simm.s32 @!p2 $0x0  }
0x1d: {  	s5 =	simm.s32 @p1 $0x1;
	p0 =	seq.s32 s7, s2  }
0x1e: {  	s7 =	smul.u32 @!p0 $0xF7A, s2;
	p2 =	seq.s32 @!p0 s5, $0x0  }
0x1f: {  	s9 =	smul.u32 $0xF7A, s1;
	s8 =	simm.s32 @!p0 $0x1BF5;
	p2 =	por !p2, p0  }
0x20: {  	[sflag:s8] =	ssyncset.s32 @!p0 $0xFFFFF086;
	s6 =	sadd.s32 @!p0 s3, s7;
	s7 =	simm.s32 @!p0 $0x108  }
0x21: {  	s3 =	sadd.s32 s3, s9;
	s6 =	sadd.s32 @!p0 $0x88, s6;
	s7 =	simm.s32 @p2 $0x1082  }
0x22: {  	[simem:s7], [sflag:s8] =	dma.local @!p0 [hbm:s6], $0xF7A  }
0x23: {  	s9 =	sor.u32 $0xD0000000, s2;
	s6 =	simm.s32 $0x108;
	_ =	swait.ge @!p0 [sflag:s8], $0x0  }
0x24: {  	s3 =	sadd.s32 $0x88, s3;
	s6 =	simm.s32 @!p1 $0x1082;
	[sflag:s4] =	ssyncset.s32 $0xFFFFF086  }
0x25: {  	[simem:s6], [sflag:s4] =	dma.local [hbm:s3], $0xF7A  }
0x26: {  	[smem:$0x3F92] =	sst s1;
	(tag) =	ssettag s2;
	_ =	strace s9  }
0x27: {  	s1 =	sld [smem:$0x3FA2]  }
0x28: {  	s2 =	sld [smem:$0x3FA3]  }
0x29: {  	s4 =	sld [smem:$0x3FA5]  }
0x2a: {  	p0 =	seq.s32 s5, $0x0;
	s5 =	sld [smem:$0x3FA6]  }
0x2b: {  	s6 =	sld [smem:$0x3FA7]  }
0x2c: {  	s7 =	sld [smem:$0x3FA8]  }
0x2d: {  	s3 =	simm.s32 $0x108;
	s8 =	sld [smem:$0x3FA9]  }
0x2e: {  	s3 =	simm.s32 @!p0 $0x1082;
	s9 =	sld [smem:$0x3FAA]  }
0x2f: {  	lr =	sadd.s32 s0, s3;
	s0 =	sld [smem:$0x3FA1]  }
0x30: {  	s3 =	sld [smem:$0x3FA4]  }
0x31: {  	[smem:$0x3FAD] =	sst s10  }
0x32: {  	s10 =	sld [smem:$0x3FAB];
	_ =	sdelay $0x3  }
0x33: {  	p0 =	seq.s32 s10, $0x1;
	s10 =	sld [smem:$0x3FAD];
	_ =	sdelay $0x3  }
0x34: {  	[smem:$0x3FAD] =	sst s10  }
0x35: {  	s10 =	sld [smem:$0x3FAC];
	_ =	sdelay $0x3  }
0x36: {  	p1 =	seq.s32 s10, $0x1;
	s10 =	sld [smem:$0x3FAD];
	_ =	sdelay $0x3  }
0x37: {  	[smem:$0x3FAD] =	sst s10  }
0x38: {  	s10 =	sld [smem:$0x3FAE]  }
0x39: {  	_ = 	snop;
	(pc) =	sbr.ind lr, $3  }
0x3a: {  	_ = 	snop  }
0x3b: {  	_ = 	snop  }
0x3c: {  	p2 =	seq.s32 s10, $0x1;
	s10 =	sld [smem:$0x3FAD]  }
0x3d: {  	_ =	shalt  }
0x3e: {  	_ =	shalt  }
0x3f: {  	_ =	shalt  }
0x40: {  	_ =	shalt  }
0x41: {  	_ =	shalt  }
0x42: {  	_ =	shalt  }
0x43: {  	_ =	shalt  }
0x44: {  	_ =	shalt  }
0x45: {  	_ =	shalt  }
0x46: {  	_ =	shalt  }
0x47: {  	_ =	shalt  }
0x48: {  	_ =	shalt  }
0x49: {  	_ =	shalt  }
0x4a: {  	_ =	shalt  }
0x4b: {  	_ =	shalt  }
0x4c: {  	_ =	shalt  }
0x4d: {  	_ =	shalt  }
0x4e: {  	_ =	shalt  }
0x4f: {  	_ =	shalt  }
0x50: {  	_ =	shalt  }
0x51: {  	_ =	shalt  }
0x52: {  	_ =	shalt  }
0x53: {  	_ =	shalt  }
0x54: {  	_ =	shalt  }
0x55: {  	_ =	shalt  }
0x56: {  	_ =	shalt  }
0x57: {  	_ =	shalt  }
0x58: {  	_ =	shalt  }
0x59: {  	_ =	shalt  }
0x5a: {  	_ =	shalt  }
0x5b: {  	_ =	shalt  }
0x5c: {  	_ =	shalt  }
0x5d: {  	_ =	shalt  }
0x5e: {  	_ =	shalt  }
0x5f: {  	_ =	shalt  }
0x60: {  	_ =	shalt  }
0x61: {  	_ =	shalt  }
0x62: {  	_ =	shalt  }
0x63: {  	_ =	shalt  }
0x64: {  	_ =	shalt  }
0x65: {  	_ =	shalt  }
0x66: {  	_ =	shalt  }
0x67: {  	_ =	shalt  }
0x68: {  	_ =	shalt  }
0x69: {  	_ =	shalt  }
0x6a: {  	_ =	shalt  }
0x6b: {  	_ =	shalt  }
0x6c: {  	_ =	shalt  }
0x6d: {  	_ =	shalt  }
0x6e: {  	_ =	shalt  }
0x6f: {  	_ =	shalt  }
0x70: {  	_ =	shalt  }
0x71: {  	_ =	shalt  }
0x72: {  	_ =	shalt  }
0x73: {  	_ =	shalt  }
0x74: {  	_ =	shalt  }
0x75: {  	_ =	shalt  }
0x76: {  	_ =	shalt  }
0x77: {  	_ =	shalt  }
0x78: {  	_ =	shalt  }
0x79: {  	_ =	shalt  }
0x7a: {  	_ =	shalt  }
0x7b: {  	_ =	shalt  }
0x7c: {  	_ =	shalt  }
0x7d: {  	_ =	shalt  }
0x7e: {  	_ =	shalt  }
0x7f: {  	_ =	shalt  }
0x80: {  	_ =	shalt  }
0x81: {  	_ =	shalt  }
0x82: {  	_ =	shalt  }
0x83: {  	_ =	shalt  }
0x84: {  	_ =	shalt  }
0x85: {  	_ =	shalt  }
0x86: {  	_ =	shalt  }
0x87: {  	_ =	shalt  }
.Lfunc_end0:
.L_simem_size_0:
called_computation_lowered:
.L_overlay_start_0:
0x88: {  	s2 =	sld [smem:$0x3FD9]  }
0x89: {  	s3 =	sld [smem:$0x3FFE];
	_ =	sdelay $0x1  }
0x8a: {  	s1 =	srdreg.scid  }
0x8b: {  	s0 =	sand.u32 $0x1, s1  }
0x8c: {  	s16 =	sshll.u32 s0, $0xA;
	s2 =	sadd.s32 s3, s2  }
0x8d: {  	s2 =	sadd.s32 s2, s16  }
0x8e: {  	[smem:$0x3FB9] =	sst s2  }
0x8f: {  	_ = 	snop  }
0x90: {  	(tm) =	ssettm $0x1  }
0x91: {  	s17 =	sld [smem:$0x3FFB];
	_ =	sdelay $0x3  }
0x92: {  	_ =	strace s17  }
0x93: {  	s2 =	sld [smem:$0x3FFC];
	_ =	sdelay $0x3  }
0x94: {  	_ =	strace s2  }
0x95: {  	s2 =	sld [smem:$0x3FFD];
	_ =	sdelay $0x3  }
0x96: {  	_ =	strace s2  }
0x97: {  	_ =	strace $0x8FFFFFFF  }
0x98: {  	s18 =	sld [smem:$0x3FDB];
	_ =	sdelay $0x1  }
0x99: {  	s19 =	simm.s32 $_scs_section_size  }
0x9a: {  	s4 =	simm.s32 $_size__tile_overlayer_lowered;
	s5 =	simm.s32 $_tile_overlayer_lowered  }
0x9b: {  	s22 =	simm.s32 $0x1BFF;
	s21 =	sshll.u32 s5, $0x1;
	s2 =	sadd.s32 s19, s18  }
0x9c: {  	s6 =	simm.s32 $0x0;
	s20 =	sshll.u32 s4, $0x1;
	s4 =	sadd.s32 s21, s2  }
0x9d: {  	[timem:s6], [sflag:s22] =	dma.local [hbm:s4], s20  }
0x9e: {  	_ =	swait.ge [sflag:s22], s20  }
0x9f: {  	s3 =	ssub.s32 $0x0, s20;
	[sflag:s22] =	ssyncset.done $0x0  }
0xa0: {  	[sflag:s22] =	ssyncadd.s32 s3;
	_ =	sdelay $0x1  }
0xa1: {  	s23 =	simm.s32 $0x1B8B  }
0xa2: {  	_ =	swait.ge [sflag:s23], $0x1  }
0xa3: {  	[sflag:s23] =	ssyncset.done $0x0  }
0xa4: {  	s25 =	simm.s32 $0x1B8E;
	s24 =	sld [smem:$0x3FFE];
	[sflag:s23] =	ssyncadd.s32 $0xFFFFFFFF  }
0xa5: {  	s26 =	simm.s32 $execute0_lowered;
	[smem:$0x3FD2] =	sst s25  }
0xa6: {  	s4 =	sshll.u32 s26, $0x1;
	_ =	strace $0x80000046;
	[dreg:$0x1] =	wrdreg $0xFFFFFFFF  }
0xa7: {  	s28 =	simm.s32 $_size_execute0_lowered;
	s2 =	sadd.s32 s2, s4;
	[dreg:$0x0] =	wrdreg $0x0  }
0xa8: {  	s4 =	sshll.u32 s28, $0x1;
	[dreg:$0x2] =	wrdreg s2  }
0xa9: {  	[dreg:$0x3] =	wrdreg s4  }
0xaa: {  	[dreg:$0x4] =	wrdreg $0xC0  }
0xab: {  	_ =	task [dreg:s6], $0x5FFFF  }
0xac: {  	[dreg:$0x1] =	wrdreg $0xFFFFFFFF  }
0xad: {  	[dreg:$0x0] =	wrdreg $0x60  }
0xae: {  	[dreg:$0x2] =	wrdreg s24  }
0xaf: {  	[dreg:$0x3] =	wrdreg $0x9  }
0xb0: {  	_ =	task.clear_ibuf [dreg:s6], $0x4FFFF;
	_ =	strace $0x90000046  }
0xb1: {  	s29 =	simm.s32 $0x9;
	_ =	strace $0x80000048  }
0xb2: {  	_ =	swait.ge [sflag:s29], $0x1  }
0xb3: {  	[sflag:s29] =	ssyncadd.s32 $0xFFFFFFFF  }
0xb4: {  	_ =	strace $0x90000048  }
0xb5: {  	_ =	sfence  }
0xb6: {  	s30 =	sld [smem:$0x0];
	_ =	sdelay $0x2  }
0xb7: {  	s31 =	sshll.u32 s1, $0xD;
	s1 =	sshrl.u32 s1, $0x2  }
0xb8: {  	s3 =	sand.u32 $0x4000, s31;
	s1 =	sadd.s32 s1, s30  }
0xb9: {  	s0 =	sor.u32 s3, s0;
	s1 =	sshll.u32 s1, $0x11  }
0xba: {  	s0 =	sor.u32 s1, s0  }
0xbb: {  	s0 =	sadd.s32 $0x8F2B, s0  }
0xbc: {  	[sflag:s0] =	ssyncadd.remote.s32 $0x1  }
0xbd: {  	_ =	sfence.sel $0xFFFF  }
0xbe: {  	[dreg:$0x0] =	wrdreg $0xFFFFFFFF;
	(pc) =	sbr.abs _section_cstart, $3  }
0xbf: {  	[dreg:$0x1] =	wrdreg $0xFFFFFFFF  }
0xc0: {  	_ =	task.clear_ibuf [dreg:s6], $0x2FFFF;
	_ =	strace $0x9FFFFFFF  }
0xc1: {  	(tm) =	ssettm $0x7FFFFFFF  }
tec
execute0_lowered:
.L_overlay_start_1:
0x0: {  	(tag) =	ssettag $0x1  }
0x1: {  	s0 =	rddreg [dreg:$0x0]  }
0x2: {  	s14 =	rddreg [dreg:$0x1]  }
0x3: {  	s1 =	srdreg.scid;
	s3 =	stileid.u32;
	s2 =	simm.s32 $0x0  }
0x4: {  	s25 =	simm.s32 $0x4000;
	s12 =	simm.s32 $0x200;
	s13 =	simm.s32 $0x3  }
0x5: {  	s11 =	simm.s32 $0x80;
	s26 =	simm.s32 $0x1600;
	s10 =	simm.s32 $0x600  }
0x6: {  	s16 =	simm.s32 $0x2600;
	s17 =	simm.s32 $0x180;
	s18 =	simm.s32 $0x3600  }
0x7: {  	s5 =	simm.s32 $0x4600;
	s19 =	simm.s32 $0x280;
	s20 =	simm.s32 $0x5600  }
0x8: {  	s28 =	simm.s32 $0x9600;
	p0 =	por $0x0, $0x0;
	s29 =	simm.s32 $0x500  }
0x9: {  	s30 =	simm.s32 $0xA600;
	s31 =	simm.s32 $0x580;
	s15 =	simm.s32 $0xB600  }
0xa: {  	s8 =	simm.s32 $0x1;
	s1 =	sand.u32 $0x1, s1;
	[smem:$0x7FF] =	sst s2  }
0xb: {  	s3 =	sshll.u32 s3, $0x1;
	s9 =	sadd.s32 $0x16E5600, s0;
	s7 =	sadd.s32 $0x1314C00, s0  }
0xc: {  	s6 =	sadd.s32 $0xF44200, s0;
	_ =	strace $0x80000047;
	[dreg:$0x6] =	wrdreg s25  }
0xd: {  	s3 =	sor.u32 s1, s3;
	s1 =	ssub.s32 $0x2, s1;
	[dreg:$0x7] =	wrdreg s26  }
0xe: {  	s25 =	simm.s32 $0x400;
	s4 =	sshll.u32 s3, $0x6;
	s23 =	sshrl.u32 s1, $0x1  }
0xf: {  	s3 =	sshll.u32 s3, $0xB;
	s4 =	sadd.s32 s4, s0;
	s1 =	ssub.s32 s1, s23  }
0x10: {  	s3 =	sadd.s32 s3, s0;
	s4 =	sadd.s32 $0x1E00, s4;
	s1 =	smax.u32 s1, $0x1  }
0x11: {  	s21 =	sadd.s32 $0x3600, s3;
	[dreg:$0x2] =	wrdreg s4;
	p1 =	sne.s32 s1, $0x1  }
.Ltmp0:
0x12: {  	s22 =	sadd.s32 $0x13600, s3;
	[dreg:$0x3] =	wrdreg s21;
	(pc) =	sbr.rel @!p1 .LBB2_1-.Ltmp0, $4  }
0x13: {  	s26 =	simm.s32 $0x480;
	s24 =	sadd.s32 $0x23600, s3;
	[dreg:$0x4] =	wrdreg s22  }
0x14: {  	s23 =	simm.s32 $0x380;
	s3 =	simm.s32 $0x8600;
	[dreg:$0x5] =	wrdreg s24  }
0x15: {  	s21 =	simm.s32 $0x300;
	s22 =	simm.s32 $0x6600;
	s24 =	simm.s32 $0x7600  }
0x16: {  	s0 =	sadd.s32 $0xFFFFFFFF, s1;
	s4 =	simm.s32 $0x2;
	s1 =	rddreg [dreg:$0x2]  }
0x17: {  	s14 =	smov.u32 s0;
	s0 =	rddreg [dreg:$0x6]  }
0x18: {  	[tilespmem:s2], [sflag:$0x3] =	stream.strided.gather [hbm4b:s1+s12], $0x600, s0, s12, $0x38;
	[tilespmem:$0xC600] =	vst v63  }
0x19: {  	_ =	swait.ge [sflag:s13], $0x600  }
0x1a: {  	[sflag:s13] =	ssyncset.done $0x0  }
0x1b: {  	[sflag:s13] =	ssyncadd.s32 $0xFFFFFA00  }
0x1c: {  	[tilespmem:s10], [sflag:$0x1] =	stream.indirect.gather [hbm4b:s9+s11], $0x20, s2, s11, $0xb8;
	[tilespmem:$0xC600] =	vst v63  }
0x1d: {  	s1 =	rddreg [dreg:$0x7]  }
0x1e: {  	[tilespmem:s1], [sflag:$0x1] =	stream.indirect.gather [hbm4b:s9+s11], $0x20, s11, s11, $0xb8;
	[tilespmem:$0xC600] =	vst v63  }
0x1f: {  	s1 =	simm.s32 $0x100  }
0x20: {  	[tilespmem:s16], [sflag:$0x1] =	stream.indirect.gather [hbm4b:s9+s11], $0x20, s1, s11, $0xb8;
	[tilespmem:$0xC600] =	vst v63  }
0x21: {  	_ = 	snop  }
0x22: {  	[tilespmem:s18], [sflag:$0x1] =	stream.indirect.gather [hbm4b:s9+s11], $0x20, s17, s11, $0xb8;
	[tilespmem:$0xC600] =	vst v63  }
0x23: {  	_ = 	snop  }
0x24: {  	[tilespmem:s5], [sflag:$0x1] =	stream.indirect.gather [hbm4b:s7+s11], $0x20, s12, s11, $0xb8;
	[tilespmem:$0xC600] =	vst v63  }
0x25: {  	_ = 	snop  }
0x26: {  	[tilespmem:s20], [sflag:$0x1] =	stream.indirect.gather [hbm4b:s7+s11], $0x20, s19, s11, $0xb8;
	[tilespmem:$0xC600] =	vst v63  }
0x27: {  	_ = 	snop  }
0x28: {  	[tilespmem:s22], [sflag:$0x1] =	stream.indirect.gather [hbm4b:s7+s11], $0x20, s21, s11, $0xb8;
	[tilespmem:$0xC600] =	vst v63  }
0x29: {  	_ = 	snop  }
0x2a: {  	[tilespmem:s24], [sflag:$0x1] =	stream.indirect.gather [hbm4b:s7+s11], $0x20, s23, s11, $0xb8;
	[tilespmem:$0xC600] =	vst v63  }
0x2b: {  	_ = 	snop  }
0x2c: {  	[tilespmem:s3], [sflag:$0x1] =	stream.indirect.gather [hbm4b:s6+s11], $0x20, s25, s11, $0xb8;
	[tilespmem:$0xC600] =	vst v63  }
0x2d: {  	_ = 	snop  }
0x2e: {  	[tilespmem:s28], [sflag:$0x1] =	stream.indirect.gather [hbm4b:s6+s11], $0x20, s26, s11, $0xb8;
	[tilespmem:$0xC600] =	vst v63  }
0x2f: {  	_ = 	snop  }
0x30: {  	[tilespmem:s30], [sflag:$0x1] =	stream.indirect.gather [hbm4b:s6+s11], $0x20, s29, s11, $0xb8;
	[tilespmem:$0xC600] =	vst v63  }
0x31: {  	_ = 	snop  }
0x32: {  	[tilespmem:s15], [sflag:$0x1] =	stream.indirect.gather [hbm4b:s6+s11], $0x20, s31, s11, $0xb8;
	[tilespmem:$0xC600] =	vst v63  }
0x33: {  	_ =	swait.ge [sflag:s8], $0x1000  }
0x34: {  	[sflag:s8] =	ssyncset.done $0x0  }
0x35: {  	[sflag:s8] =	ssyncadd.s32 $0xFFFFF000  }
0x36: {  	_ =	swait.ge [sflag:s8], $0x1000  }
0x37: {  	[sflag:s8] =	ssyncset.done $0x0  }
0x38: {  	[sflag:s8] =	ssyncadd.s32 $0xFFFFF000  }
0x39: {  	_ =	swait.ge [sflag:s8], $0x1000  }
0x3a: {  	[sflag:s8] =	ssyncset.done $0x0  }
0x3b: {  	[sflag:s8] =	ssyncadd.s32 $0xFFFFF000  }
0x3c: {  	_ =	swait.ge [sflag:s8], $0x1000  }
0x3d: {  	[sflag:s8] =	ssyncset.done $0x0  }
0x3e: {  	s1 =	rddreg [dreg:$0x3];
	[sflag:s8] =	ssyncadd.s32 $0xFFFFF000  }
0x3f: {  	[hbm4b:s1+s2] =	stream.linear.scatter [tilespmem:s10], [sflag:$0x2], $0x4000, $0x38;
	[tilespmem:$0xC600] =	vst v63  }
0x40: {  	_ =	swait.ge [sflag:s8], $0x1000  }
0x41: {  	[sflag:s8] =	ssyncset.done $0x0  }
0x42: {  	[sflag:s8] =	ssyncadd.s32 $0xFFFFF000  }
0x43: {  	_ =	swait.ge [sflag:s8], $0x1000  }
0x44: {  	[sflag:s8] =	ssyncset.done $0x0  }
0x45: {  	[sflag:s8] =	ssyncadd.s32 $0xFFFFF000  }
0x46: {  	_ =	swait.ge [sflag:s8], $0x1000  }
0x47: {  	[sflag:s8] =	ssyncset.done $0x0  }
0x48: {  	[sflag:s8] =	ssyncadd.s32 $0xFFFFF000  }
0x49: {  	_ =	swait.ge [sflag:s8], $0x1000  }
0x4a: {  	[sflag:s8] =	ssyncset.done $0x0  }
0x4b: {  	s1 =	rddreg [dreg:$0x4];
	[sflag:s8] =	ssyncadd.s32 $0xFFFFF000  }
0x4c: {  	[hbm4b:s1+s2] =	stream.linear.scatter [tilespmem:s5], [sflag:$0x2], $0x4000, $0x38;
	[tilespmem:$0xC600] =	vst v63  }
0x4d: {  	_ =	swait.ge [sflag:s8], $0x1000  }
0x4e: {  	[sflag:s8] =	ssyncset.done $0x0  }
0x4f: {  	[sflag:s8] =	ssyncadd.s32 $0xFFFFF000  }
0x50: {  	_ =	swait.ge [sflag:s8], $0x1000  }
0x51: {  	[sflag:s8] =	ssyncset.done $0x0  }
0x52: {  	[sflag:s8] =	ssyncadd.s32 $0xFFFFF000  }
0x53: {  	_ =	swait.ge [sflag:s8], $0x1000  }
0x54: {  	[sflag:s8] =	ssyncset.done $0x0  }
0x55: {  	[sflag:s8] =	ssyncadd.s32 $0xFFFFF000  }
0x56: {  	_ =	swait.ge [sflag:s8], $0x1000  }
0x57: {  	[sflag:s8] =	ssyncset.done $0x0  }
0x58: {  	s1 =	rddreg [dreg:$0x5];
	[sflag:s8] =	ssyncadd.s32 $0xFFFFF000  }
0x59: {  	[hbm4b:s1+s2] =	stream.linear.scatter [tilespmem:s3], [sflag:$0x2], $0x4000, $0x38;
	[tilespmem:$0xC600] =	vst v63  }
0x5a: {  	_ =	swait.ge [sflag:s4], $0x4000  }
0x5b: {  	[sflag:s4] =	ssyncset.done $0x0  }
0x5c: {  	p1 =	sne.s32 s14, $0x1;
	[sflag:s4] =	ssyncadd.s32 $0xFFFFC000  }
.Ltmp1:
0x5d: {  	_ =	swait.ge [sflag:s4], $0x4000;
	(pc) =	sbr.rel @!p1 .LBB2_3-.Ltmp1, $4  }
0x5e: {  	[sflag:s4] =	ssyncset.done $0x0  }
0x5f: {  	[sflag:s4] =	ssyncadd.s32 $0xFFFFC000  }
0x60: {  	p0 =	por $0x1, $0x1;
	_ =	swait.ge [sflag:s4], $0x4000  }
0x61: {  	s0 =	sadd.s32 $0xFFFFFFFF, s14;
	s1 =	rddreg [dreg:$0x2];
	[sflag:s4] =	ssyncset.done $0x0  }
.LBB2_4:
0x62: {  	s14 =	rddreg [dreg:$0x6];
	[sflag:s4] =	ssyncadd.s32 $0xFFFFC000  }
0x63: {  	[tilespmem:s2], [sflag:$0x3] =	stream.strided.gather [hbm4b:s1+s12], $0x600, s14, s12, $0x38;
	[tilespmem:$0xC600] =	vst v63  }
0x64: {  	_ =	swait.ge [sflag:s13], $0x600  }
0x65: {  	[sflag:s13] =	ssyncset.done $0x0  }
0x66: {  	[sflag:s13] =	ssyncadd.s32 $0xFFFFFA00  }
0x67: {  	[tilespmem:s10], [sflag:$0x1] =	stream.indirect.gather [hbm4b:s9+s11], $0x20, s2, s11, $0xb8;
	[tilespmem:$0xC600] =	vst v63  }
0x68: {  	s14 =	rddreg [dreg:$0x7]  }
0x69: {  	[tilespmem:s14], [sflag:$0x1] =	stream.indirect.gather [hbm4b:s9+s11], $0x20, s11, s11, $0xb8;
	[tilespmem:$0xC600] =	vst v63  }
0x6a: {  	s14 =	simm.s32 $0x100  }
0x6b: {  	[tilespmem:s16], [sflag:$0x1] =	stream.indirect.gather [hbm4b:s9+s11], $0x20, s14, s11, $0xb8;
	[tilespmem:$0xC600] =	vst v63  }
0x6c: {  	_ = 	snop  }
0x6d: {  	[tilespmem:s18], [sflag:$0x1] =	stream.indirect.gather [hbm4b:s9+s11], $0x20, s17, s11, $0xb8;
	[tilespmem:$0xC600] =	vst v63  }
0x6e: {  	_ = 	snop  }
0x6f: {  	[tilespmem:s5], [sflag:$0x1] =	stream.indirect.gather [hbm4b:s7+s11], $0x20, s12, s11, $0xb8;
	[tilespmem:$0xC600] =	vst v63  }
0x70: {  	_ = 	snop  }
0x71: {  	[tilespmem:s20], [sflag:$0x1] =	stream.indirect.gather [hbm4b:s7+s11], $0x20, s19, s11, $0xb8;
	[tilespmem:$0xC600] =	vst v63  }
0x72: {  	_ = 	snop  }
0x73: {  	[tilespmem:s22], [sflag:$0x1] =	stream.indirect.gather [hbm4b:s7+s11], $0x20, s21, s11, $0xb8;
	[tilespmem:$0xC600] =	vst v63  }
0x74: {  	_ = 	snop  }
0x75: {  	[tilespmem:s24], [sflag:$0x1] =	stream.indirect.gather [hbm4b:s7+s11], $0x20, s23, s11, $0xb8;
	[tilespmem:$0xC600] =	vst v63  }
0x76: {  	_ = 	snop  }
0x77: {  	[tilespmem:s3], [sflag:$0x1] =	stream.indirect.gather [hbm4b:s6+s11], $0x20, s25, s11, $0xb8;
	[tilespmem:$0xC600] =	vst v63  }
0x78: {  	_ = 	snop  }
0x79: {  	[tilespmem:s28], [sflag:$0x1] =	stream.indirect.gather [hbm4b:s6+s11], $0x20, s26, s11, $0xb8;
	[tilespmem:$0xC600] =	vst v63  }
0x7a: {  	_ = 	snop  }
0x7b: {  	[tilespmem:s30], [sflag:$0x1] =	stream.indirect.gather [hbm4b:s6+s11], $0x20, s29, s11, $0xb8;
	[tilespmem:$0xC600] =	vst v63  }
0x7c: {  	_ = 	snop  }
0x7d: {  	[tilespmem:s15], [sflag:$0x1] =	stream.indirect.gather [hbm4b:s6+s11], $0x20, s31, s11, $0xb8;
	[tilespmem:$0xC600] =	vst v63  }
0x7e: {  	_ =	swait.ge [sflag:s8], $0x1000  }
0x7f: {  	[sflag:s8] =	ssyncset.done $0x0  }
0x80: {  	[sflag:s8] =	ssyncadd.s32 $0xFFFFF000  }
0x81: {  	_ =	swait.ge [sflag:s8], $0x1000  }
0x82: {  	[sflag:s8] =	ssyncset.done $0x0  }
0x83: {  	[sflag:s8] =	ssyncadd.s32 $0xFFFFF000  }
0x84: {  	_ =	swait.ge [sflag:s8], $0x1000  }
0x85: {  	[sflag:s8] =	ssyncset.done $0x0  }
0x86: {  	[sflag:s8] =	ssyncadd.s32 $0xFFFFF000  }
0x87: {  	_ =	swait.ge [sflag:s8], $0x1000  }
0x88: {  	[sflag:s8] =	ssyncset.done $0x0  }
0x89: {  	s14 =	rddreg [dreg:$0x3];
	[sflag:s8] =	ssyncadd.s32 $0xFFFFF000  }
0x8a: {  	[hbm4b:s14+s2] =	stream.linear.scatter [tilespmem:s10], [sflag:$0x2], $0x4000, $0x38;
	[tilespmem:$0xC600] =	vst v63  }
0x8b: {  	_ =	swait.ge [sflag:s8], $0x1000  }
0x8c: {  	[sflag:s8] =	ssyncset.done $0x0  }
0x8d: {  	[sflag:s8] =	ssyncadd.s32 $0xFFFFF000  }
0x8e: {  	_ =	swait.ge [sflag:s8], $0x1000  }
0x8f: {  	[sflag:s8] =	ssyncset.done $0x0  }
0x90: {  	[sflag:s8] =	ssyncadd.s32 $0xFFFFF000  }
0x91: {  	_ =	swait.ge [sflag:s8], $0x1000  }
0x92: {  	[sflag:s8] =	ssyncset.done $0x0  }
0x93: {  	[sflag:s8] =	ssyncadd.s32 $0xFFFFF000  }
0x94: {  	_ =	swait.ge [sflag:s8], $0x1000  }
0x95: {  	[sflag:s8] =	ssyncset.done $0x0  }
0x96: {  	s14 =	rddreg [dreg:$0x4];
	[sflag:s8] =	ssyncadd.s32 $0xFFFFF000  }
0x97: {  	[hbm4b:s14+s2] =	stream.linear.scatter [tilespmem:s5], [sflag:$0x2], $0x4000, $0x38;
	[tilespmem:$0xC600] =	vst v63  }
0x98: {  	_ =	swait.ge [sflag:s8], $0x1000  }
0x99: {  	[sflag:s8] =	ssyncset.done $0x0  }
0x9a: {  	[sflag:s8] =	ssyncadd.s32 $0xFFFFF000  }
0x9b: {  	_ =	swait.ge [sflag:s8], $0x1000  }
0x9c: {  	[sflag:s8] =	ssyncset.done $0x0  }
0x9d: {  	[sflag:s8] =	ssyncadd.s32 $0xFFFFF000  }
0x9e: {  	_ =	swait.ge [sflag:s8], $0x1000  }
0x9f: {  	[sflag:s8] =	ssyncset.done $0x0  }
0xa0: {  	[sflag:s8] =	ssyncadd.s32 $0xFFFFF000  }
0xa1: {  	_ =	swait.ge [sflag:s8], $0x1000  }
0xa2: {  	[sflag:s8] =	ssyncset.done $0x0  }
0xa3: {  	s14 =	rddreg [dreg:$0x5];
	[sflag:s8] =	ssyncadd.s32 $0xFFFFF000  }
0xa4: {  	[hbm4b:s14+s2] =	stream.linear.scatter [tilespmem:s3], [sflag:$0x2], $0x4000, $0x38;
	[tilespmem:$0xC600] =	vst v63  }
0xa5: {  	_ =	swait.ge [sflag:s4], $0x4000  }
0xa6: {  	[sflag:s4] =	ssyncset.done $0x0  }
0xa7: {  	p1 =	sne.s32 s0, $0x1;
	[sflag:s4] =	ssyncadd.s32 $0xFFFFC000  }
.Ltmp2:
0xa8: {  	_ =	swait.ge [sflag:s4], $0x4000;
	(pc) =	sbr.rel @p1 .LBB2_4-.Ltmp2, $4  }
0xa9: {  	[sflag:s4] =	ssyncset.done $0x0  }
0xaa: {  	[sflag:s4] =	ssyncadd.s32 $0xFFFFC000  }
0xab: {  	_ =	swait.ge [sflag:s4], $0x4000  }
0xac: {  	s0 =	sadd.s32 $0xFFFFFFFF, s0;
	s1 =	rddreg [dreg:$0x2];
	[sflag:s4] =	ssyncset.done $0x0  }
0xad: {  	s31 =	simm.s32 $0x580;
	s30 =	simm.s32 $0xA600  }
0xae: {  	s29 =	simm.s32 $0x500;
	s28 =	simm.s32 $0x9600;
	s26 =	simm.s32 $0x480  }
0xaf: {  	s25 =	simm.s32 $0x400;
	s24 =	simm.s32 $0x7600;
	s23 =	simm.s32 $0x380  }
0xb0: {  	s22 =	simm.s32 $0x6600;
	s21 =	simm.s32 $0x300;
	s20 =	simm.s32 $0x5600  }
0xb1: {  	s19 =	simm.s32 $0x280;
	s18 =	simm.s32 $0x3600;
	s17 =	simm.s32 $0x180  }
0xb2: {  	s16 =	simm.s32 $0x2600;
	s15 =	simm.s32 $0x100;
	s14 =	rddreg [dreg:$0x1]  }
.LBB2_6:
0xb3: {  	s0 =	rddreg [dreg:$0x6];
	[sflag:s4] =	ssyncadd.s32 @p0 $0xFFFFC000  }
0xb4: {  	[tilespmem:s2], [sflag:$0x3] =	stream.strided.gather [hbm4b:s1+s12], $0x600, s0, s12, $0x38;
	[tilespmem:$0xC600] =	vst v63  }
0xb5: {  	_ =	swait.ge [sflag:s13], $0x600  }
0xb6: {  	[sflag:s13] =	ssyncset.done $0x0  }
0xb7: {  	[sflag:s13] =	ssyncadd.s32 $0xFFFFFA00  }
0xb8: {  	[tilespmem:s10], [sflag:$0x1] =	stream.indirect.gather [hbm4b:s9+s11], $0x20, s2, s11, $0xb8;
	[tilespmem:$0xC600] =	vst v63  }
0xb9: {  	s13 =	rddreg [dreg:$0x7]  }
0xba: {  	[tilespmem:s13], [sflag:$0x1] =	stream.indirect.gather [hbm4b:s9+s11], $0x20, s11, s11, $0xb8;
	[tilespmem:$0xC600] =	vst v63  }
0xbb: {  	_ = 	snop  }
0xbc: {  	[tilespmem:s16], [sflag:$0x1] =	stream.indirect.gather [hbm4b:s9+s11], $0x20, s15, s11, $0xb8;
	[tilespmem:$0xC600] =	vst v63  }
0xbd: {  	_ = 	snop  }
0xbe: {  	[tilespmem:s18], [sflag:$0x1] =	stream.indirect.gather [hbm4b:s9+s11], $0x20, s17, s11, $0xb8;
	[tilespmem:$0xC600] =	vst v63  }
0xbf: {  	_ = 	snop  }
0xc0: {  	[tilespmem:s5], [sflag:$0x1] =	stream.indirect.gather [hbm4b:s7+s11], $0x20, s12, s11, $0xb8;
	[tilespmem:$0xC600] =	vst v63  }
0xc1: {  	_ = 	snop  }
0xc2: {  	[tilespmem:s20], [sflag:$0x1] =	stream.indirect.gather [hbm4b:s7+s11], $0x20, s19, s11, $0xb8;
	[tilespmem:$0xC600] =	vst v63  }
0xc3: {  	_ = 	snop  }
0xc4: {  	[tilespmem:s22], [sflag:$0x1] =	stream.indirect.gather [hbm4b:s7+s11], $0x20, s21, s11, $0xb8;
	[tilespmem:$0xC600] =	vst v63  }
0xc5: {  	_ = 	snop  }
0xc6: {  	[tilespmem:s24], [sflag:$0x1] =	stream.indirect.gather [hbm4b:s7+s11], $0x20, s23, s11, $0xb8;
	[tilespmem:$0xC600] =	vst v63  }
0xc7: {  	_ = 	snop  }
0xc8: {  	[tilespmem:s3], [sflag:$0x1] =	stream.indirect.gather [hbm4b:s6+s11], $0x20, s25, s11, $0xb8;
	[tilespmem:$0xC600] =	vst v63  }
0xc9: {  	_ = 	snop  }
0xca: {  	[tilespmem:s28], [sflag:$0x1] =	stream.indirect.gather [hbm4b:s6+s11], $0x20, s26, s11, $0xb8;
	[tilespmem:$0xC600] =	vst v63  }
0xcb: {  	_ = 	snop  }
0xcc: {  	[tilespmem:s30], [sflag:$0x1] =	stream.indirect.gather [hbm4b:s6+s11], $0x20, s29, s11, $0xb8;
	[tilespmem:$0xC600] =	vst v63  }
0xcd: {  	s26 =	simm.s32 $0xB600  }
0xce: {  	[tilespmem:s26], [sflag:$0x1] =	stream.indirect.gather [hbm4b:s6+s11], $0x20, s31, s11, $0xb8;
	[tilespmem:$0xC600] =	vst v63  }
0xcf: {  	_ =	swait.ge [sflag:s8], $0x1000  }
0xd0: {  	[sflag:s8] =	ssyncset.done $0x0  }
0xd1: {  	[sflag:s8] =	ssyncadd.s32 $0xFFFFF000  }
0xd2: {  	_ =	swait.ge [sflag:s8], $0x1000  }
0xd3: {  	[sflag:s8] =	ssyncset.done $0x0  }
0xd4: {  	[sflag:s8] =	ssyncadd.s32 $0xFFFFF000  }
0xd5: {  	_ =	swait.ge [sflag:s8], $0x1000  }
0xd6: {  	[sflag:s8] =	ssyncset.done $0x0  }
0xd7: {  	[sflag:s8] =	ssyncadd.s32 $0xFFFFF000  }
0xd8: {  	_ =	swait.ge [sflag:s8], $0x1000  }
0xd9: {  	[sflag:s8] =	ssyncset.done $0x0  }
0xda: {  	s28 =	rddreg [dreg:$0x3];
	[sflag:s8] =	ssyncadd.s32 $0xFFFFF000  }
0xdb: {  	[hbm4b:s28+s2] =	stream.linear.scatter [tilespmem:s10], [sflag:$0x2], $0x4000, $0x38;
	[tilespmem:$0xC600] =	vst v63  }
0xdc: {  	_ =	swait.ge [sflag:s8], $0x1000  }
0xdd: {  	[sflag:s8] =	ssyncset.done $0x0  }
0xde: {  	[sflag:s8] =	ssyncadd.s32 $0xFFFFF000  }
0xdf: {  	_ =	swait.ge [sflag:s8], $0x1000  }
0xe0: {  	[sflag:s8] =	ssyncset.done $0x0  }
0xe1: {  	[sflag:s8] =	ssyncadd.s32 $0xFFFFF000  }
0xe2: {  	_ =	swait.ge [sflag:s8], $0x1000  }
0xe3: {  	[sflag:s8] =	ssyncset.done $0x0  }
0xe4: {  	[sflag:s8] =	ssyncadd.s32 $0xFFFFF000  }
0xe5: {  	_ =	swait.ge [sflag:s8], $0x1000  }
0xe6: {  	[sflag:s8] =	ssyncset.done $0x0  }
0xe7: {  	s29 =	rddreg [dreg:$0x4];
	[sflag:s8] =	ssyncadd.s32 $0xFFFFF000  }
0xe8: {  	[hbm4b:s29+s2] =	stream.linear.scatter [tilespmem:s5], [sflag:$0x2], $0x4000, $0x38;
	[tilespmem:$0xC600] =	vst v63  }
0xe9: {  	_ =	swait.ge [sflag:s8], $0x1000  }
0xea: {  	[sflag:s8] =	ssyncset.done $0x0  }
0xeb: {  	[sflag:s8] =	ssyncadd.s32 $0xFFFFF000  }
0xec: {  	_ =	swait.ge [sflag:s8], $0x1000  }
0xed: {  	[sflag:s8] =	ssyncset.done $0x0  }
0xee: {  	[sflag:s8] =	ssyncadd.s32 $0xFFFFF000  }
0xef: {  	_ =	swait.ge [sflag:s8], $0x1000  }
0xf0: {  	[sflag:s8] =	ssyncset.done $0x0  }
0xf1: {  	[sflag:s8] =	ssyncadd.s32 $0xFFFFF000  }
0xf2: {  	_ =	swait.ge [sflag:s8], $0x1000  }
0xf3: {  	[sflag:s8] =	ssyncset.done $0x0  }
0xf4: {  	s30 =	rddreg [dreg:$0x5];
	[sflag:s8] =	ssyncadd.s32 $0xFFFFF000  }
0xf5: {  	[hbm4b:s30+s2] =	stream.linear.scatter [tilespmem:s3], [sflag:$0x2], $0x4000, $0x38;
	[tilespmem:$0xC600] =	vst v63  }
0xf6: {  	_ =	swait.ge [sflag:s4], $0x4000  }
0xf7: {  	[sflag:s4] =	ssyncset.done $0x0  }
0xf8: {  	[sflag:s4] =	ssyncadd.s32 $0xFFFFC000  }
0xf9: {  	_ =	swait.ge [sflag:s4], $0x4000  }
0xfa: {  	[sflag:s4] =	ssyncset.done $0x0  }
0xfb: {  	[sflag:s4] =	ssyncadd.s32 $0xFFFFC000  }
0xfc: {  	_ =	swait.ge [sflag:s4], $0x4000  }
0xfd: {  	[sflag:s4] =	ssyncset.done $0x0  }
0xfe: {  	[sflag:s4] =	ssyncadd.s32 $0xFFFFC000  }
0xff: {  	_ =	sfence.sel $0x180000  }
0x100: {  	s31 =	stileid.u32;
	[bflag:$0x0] =	sbarrier.arrive $0xFFFF  }
0x101: {  	p0 =	sne.s32 s31, $0x0;
	_ =	strace $0x90000047  }
0x102: {  	s0 =	sadd.s32 @!p0 $0x100000, s14;
	[bflag:$0x2] =	sbarrier.arrive $0xFFFF  }
0x103: {  	[sflag:s0] =	ssyncadd.tile.s32 @!p0 $0x1;
	_ =	shalt  }
.LBB2_1:
0x104: {  	s31 =	simm.s32 $0x580;
	s30 =	simm.s32 $0xA600  }
.Ltmp3:
0x105: {  	s29 =	simm.s32 $0x500;
	s28 =	simm.s32 $0x9600;
	(pc) =	sbr.rel .LBB2_6-.Ltmp3, $4  }
0x106: {  	s26 =	simm.s32 $0x480;
	s25 =	simm.s32 $0x400;
	s24 =	simm.s32 $0x7600  }
0x107: {  	s23 =	simm.s32 $0x380;
	s22 =	simm.s32 $0x6600;
	s21 =	simm.s32 $0x300  }
0x108: {  	s20 =	simm.s32 $0x5600;
	s19 =	simm.s32 $0x280;
	s18 =	simm.s32 $0x3600  }
0x109: {  	s17 =	simm.s32 $0x180;
	s16 =	simm.s32 $0x2600;
	s15 =	simm.s32 $0x100  }
.LBB2_3:
0x10a: {  	s31 =	simm.s32 $0x580;
	s30 =	simm.s32 $0xA600;
	s29 =	simm.s32 $0x500  }
.Ltmp4:
0x10b: {  	s28 =	simm.s32 $0x9600;
	s26 =	simm.s32 $0x480;
	(pc) =	sbr.rel .LBB2_6-.Ltmp4, $4  }
0x10c: {  	s25 =	simm.s32 $0x400;
	s24 =	simm.s32 $0x7600;
	s23 =	simm.s32 $0x380  }
0x10d: {  	s22 =	simm.s32 $0x6600;
	s21 =	simm.s32 $0x300;
	s20 =	simm.s32 $0x5600  }
0x10e: {  	s19 =	simm.s32 $0x280;
	s18 =	simm.s32 $0x3600;
	s17 =	simm.s32 $0x180  }
0x10f: {  	s16 =	simm.s32 $0x2600;
	s15 =	simm.s32 $0x100;
	s14 =	rddreg [dreg:$0x1]  }
.Lfunc_end2:
_tile_overlayer_lowered:
.L_overlay_start_2:
0x110: {  	(tag) =	ssettag $0x2  }
0x111: {  	s0 =	rddreg [dreg:$0x0];
	s2 =	stileid.u32  }
0x112: {  	s1 =	rddreg [dreg:$0x1];
	p0 =	sne.s32 s2, $0x0  }
0x113: {  	s3 =	rddreg [dreg:$0x2];
	[bflag:$0x3] =	sbarrier.arrive $0xFFFF;
	s2 =	simm.s32 @!p0 $0x1C03  }
0x114: {  	[timem:s3], [sflag:s2] =	dma.local @!p0 [hbm:s0], s1  }
0x115: {  	s0 =	simm.s32 @!p0 $0x3  }
0x116: {  	_ =	swait.ge @!p0 [sflag:s0], s1  }
0x117: {  	s1 =	ssub.s32 @!p0 $0x0, s1;
	[sflag:s0] =	ssyncset.done @!p0 $0x0  }
0x118: {  	[sflag:s0] =	ssyncadd.s32 @!p0 s1  }
0x119: {  	[bflag:$0x3] =	sbarrier.arrive $0xFFFF  }
0x11a: {  	_ =	shalt  }

</sc_bundles>
